<compile_context>
chip_gen: v7x
topology: tpu7x:2x2x1
jax: 0.10.2.dev20260603
libtpu: 0.0.44.dev20260713+nightly
codegen_flags: <defaults>
</compile_context>

<pallas_src>
import jax
import jax.numpy as jnp
from jax import lax
from jax.experimental import pallas as pl
from jax.experimental.pallas import tpu as pltpu
from jax.experimental.pallas import tpu_sc as plsc

N = 100000
D = 128
P = 1024
NC = 2
NS = 16
NW = NC * NS
NBUF = 4

CHUNK = 184
ROWS_MAIN = 3128
ROWS_LAST = N - (NW - 1) * ROWS_MAIN
NCHUNKS_MAIN = ROWS_MAIN // CHUNK
NCHUNKS_LAST = ROWS_LAST // CHUNK
TAIL_OFF = NCHUNKS_LAST * CHUNK
TAIL_LAST = ROWS_LAST - TAIL_OFF
IDX_CAP = ROWS_MAIN + 8

def _subsplits(total):
    offs, o = [], 0
    while o < total:
        sz = min(128, total - o)
        offs.append((o, sz))
        o += sz
    return offs


def _body(feats_hbm, idx_hbm, table_hbm, out_hbm, idx_v, buf_v, tail_v,
          load_sems, store_sems, gather_sem, tail_sem, tail_gsem, table_sp):
    c = lax.axis_index("c")
    s = lax.axis_index("s")
    wid = s * NC + c
    is_last = wid == NW - 1

    row0 = pl.multiple_of(wid * ROWS_MAIN, 8)
    n_my = jnp.where(is_last, NCHUNKS_LAST, NCHUNKS_MAIN)

    def chunk_base(k):
        return pl.multiple_of(row0 + k * CHUNK, 8)

    def load_start(k, b):
        pltpu.async_copy(feats_hbm.at[pl.ds(chunk_base(k), CHUNK)],
                         buf_v.at[b], load_sems.at[b])

    def load_wait(k, b):
        pltpu.make_async_copy(feats_hbm.at[pl.ds(chunk_base(k), CHUNK)],
                              buf_v.at[b], load_sems.at[b]).wait()

    def store_start(k, b):
        pltpu.async_copy(buf_v.at[b], out_hbm.at[pl.ds(chunk_base(k), CHUNK)],
                         store_sems.at[b])

    def store_wait(k, b):
        pltpu.make_async_copy(buf_v.at[b],
                              out_hbm.at[pl.ds(chunk_base(k), CHUNK)],
                              store_sems.at[b]).wait()

    def tail_feat_copy():
        return pltpu.make_async_copy(
            feats_hbm.at[pl.ds(row0 + TAIL_OFF, TAIL_LAST)],
            tail_v.at[pl.ds(0, TAIL_LAST)], tail_sem)

    def tail_gathers():
        return [pltpu.make_async_copy(
                    table_sp.at[idx_v.at[pl.ds(TAIL_OFF + o, sz)]],
                    tail_v.at[pl.ds(o, sz)], tail_gsem)
                for o, sz in _subsplits(TAIL_LAST)]

    def tail_out_copy():
        return pltpu.make_async_copy(
            tail_v.at[pl.ds(0, TAIL_LAST)],
            out_hbm.at[pl.ds(row0 + TAIL_OFF, TAIL_LAST)], tail_sem)

    load_start(0, 0)
    load_start(1, 1)
    load_start(2, 2)

    @pl.when(is_last)
    def _tail_load_last():
        tail_feat_copy().start()

    @pl.when(~is_last)
    def _idx_main():
        pltpu.sync_copy(idx_hbm.at[pl.ds(row0, ROWS_MAIN)],
                        idx_v.at[pl.ds(0, ROWS_MAIN)])

    @pl.when(is_last)
    def _idx_last():
        pltpu.sync_copy(idx_hbm.at[pl.ds(row0, ROWS_LAST)],
                        idx_v.at[pl.ds(0, ROWS_LAST)])

    @pl.when(s == 0)
    def _stage_table():
        pltpu.sync_copy(table_hbm, table_sp)

    plsc.subcore_barrier()

    @pl.when(is_last)
    def _tail_gather_last():
        tail_feat_copy().wait()
        for g in tail_gathers():
            pltpu.async_copy(g.src_ref, g.dst_ref, tail_gsem, add=True)

    def loop_body(i, carry):
        b = lax.rem(i, NBUF)

        load_wait(i, b)
        cps = []
        for o, sz in _subsplits(CHUNK):
            cps.append(pltpu.async_copy(
                table_sp.at[idx_v.at[pl.ds(i * CHUNK + o, sz)]],
                buf_v.at[b].at[pl.ds(o, sz)],
                gather_sem, add=True))

        @pl.when(i >= 1)
        def _drain_prev_store():
            store_wait(i - 1, lax.rem(i - 1, NBUF))

        @pl.when(i + 3 < n_my)
        def _next_load():
            load_start(i + 3, lax.rem(i + 3, NBUF))

        for cp in cps:
            cp.wait()
        store_start(i, b)
        return carry

    lax.fori_loop(0, n_my, loop_body, 0)

    @pl.when(is_last)
    def _tail_finish_last():
        for g in tail_gathers():
            g.wait()
        tail_out_copy().start()

    store_wait(n_my - 1, lax.rem(n_my - 1, NBUF))

    @pl.when(is_last)
    def _tail_drain_last():
        tail_out_copy().wait()


@jax.jit
def _run(feats, idx, table):
    mesh = plsc.VectorSubcoreMesh(core_axis_name="c", subcore_axis_name="s",
                                  num_cores=NC, num_subcores=NS)
    return pl.kernel(
        _body,
        out_type=jax.ShapeDtypeStruct((N, D), jnp.float32),
        mesh=mesh,
        scratch_types=[
            pltpu.VMEM((IDX_CAP,), jnp.int32),
            pltpu.VMEM((NBUF, CHUNK, D), jnp.float32),
            pltpu.VMEM((TAIL_LAST, D), jnp.float32),
            pltpu.SemaphoreType.DMA((NBUF,)),
            pltpu.SemaphoreType.DMA((NBUF,)),
            pltpu.SemaphoreType.DMA,
            pltpu.SemaphoreType.DMA,
            pltpu.SemaphoreType.DMA,
            pltpu.VMEM_SHARED((P, D), jnp.float32),
        ],
    )(feats, idx, table)


def kernel(unit_features, unit_position_ids, table):
    idx = unit_position_ids.astype(jnp.int32)
    return _run(unit_features, idx, table)

# --- scband reference (transcript-rebuilt; emitter-appended) ---
"""Pipeline reference for scband-position-encoding-42116449305108 (READ-ONLY COPY).

The authoritative reference and input builder live on the scoring server;
editing this copy changes nothing except your own understanding.
"""

import jax, jax.numpy as jnp
import numpy as np

N = 100000
D = 128
P = 1024

def setup_inputs(seed: int = 0) -> dict:
    key = jax.random.key(seed)
    k1, k2, k3 = jax.random.split(key, 3)
    unit_features = jax.random.normal(k1, (N, D), dtype=jnp.float32)
    unit_position_ids = jax.random.randint(k2, (N,), 0, P, dtype=jnp.int64)
    table = jax.random.normal(k3, (P, D), dtype=jnp.float32) * 0.02
    return {"unit_features": unit_features, "unit_position_ids": unit_position_ids, "table": table}

def reference(unit_features, unit_position_ids, table):
    # PositionEncoding.forward with level='unit', merge='add', omit_mol=False:
    #   pos_embed = embedding(unit_position_ids); features = features + pos_embed
    pos_embed = jnp.take(table, unit_position_ids, axis=0)
    features = unit_features + pos_embed
    return features

if __name__ == "__main__":
    import jax
    _d = setup_inputs()
    print(jax.jit(kernel)(*tuple(_d.values())))

</pallas_src>

<mosaic_0001>
#map = affine_map<(d0, d1) -> (0, 0)>
#map1 = affine_map<(d0, d1) -> (0)>
module attributes {stable_mosaic.version = 14 : i64} {
  func.func @_body(%arg0: i32, %arg1: i32, %arg2: memref<100000x128xf32, #tpu.memory_space<hbm>>, %arg3: memref<100000xi32, #tpu.memory_space<hbm>>, %arg4: memref<1024x128xf32, #tpu.memory_space<hbm>>, %arg5: memref<100000x128xf32, #tpu.memory_space<hbm>>, %arg6: memref<3136xi32, #tpu.memory_space<vmem>>, %arg7: memref<4x184x128xf32, #tpu.memory_space<vmem>>, %arg8: memref<88x128xf32, #tpu.memory_space<vmem>>, %arg9: memref<4x!tpu.dma_semaphore, #tpu.memory_space<semaphore_mem>>, %arg10: memref<4x!tpu.dma_semaphore, #tpu.memory_space<semaphore_mem>>, %arg11: memref<!tpu.dma_semaphore, #tpu.memory_space<semaphore_mem>>, %arg12: memref<!tpu.dma_semaphore, #tpu.memory_space<semaphore_mem>>, %arg13: memref<!tpu.dma_semaphore, #tpu.memory_space<semaphore_mem>>, %arg14: memref<1024x128xf32, #tpu.memory_space<vmem_shared>>) attributes {dimension_semantics = [#tpu.dimension_semantics<core_parallel>, #tpu.dimension_semantics<subcore_parallel>], iteration_bounds = array<i64: 2, 16>, scalar_prefetch = 0 : i64, scratch_operands = 9 : i64, tpu.core_type = #tpu.core_type<sc_vector_subcore>, window_params = [{transform_indices = #map}, {transform_indices = #map1}, {transform_indices = #map}, {transform_indices = #map}]} {
    %mul3A = arith.constant 2 : i32
    %mul3A_0 = arith.muli %arg1, %mul3A : i32
    %add3A = arith.addi %mul3A_0, %arg0 : i32
    %eq3A = arith.constant 31 : i32
    %eq3A_1 = arith.cmpi eq, %add3A, %eq3A : i32
    %mul3A_2 = arith.constant 3128 : i32
    %mul3A_3 = arith.muli %add3A, %mul3A_2 : i32
    %multiple_of3A = tpu.assume_multiple %mul3A_3, 8 : i32
    %jit3A = arith.constant 16 : i32
    %jit3A_4 = arith.constant 17 : i32
    %select_n3A = arith.select %eq3A_1, %jit3A, %jit3A_4 : i32
    %add3A_5 = arith.constant 0 : i32
    %add3A_6 = arith.addi %multiple_of3A, %add3A_5 : i32
    %multiple_of3A_7 = tpu.assume_multiple %add3A_6, 8 : i32
    %dma_start3A = arith.constant 0 : i32
    %dma_start3A_8 = arith.constant 0 : i32
    %dma_start3A_9 = arith.constant 0 : i32
    %dma_start3A_10 = arith.constant 0 : i32
    %dma_start3A_11 = tpu.memref_slice %arg7[%dma_start3A, %dma_start3A_9, %dma_start3A_10] : memref<4x184x128xf32, #tpu.memory_space<vmem>> -> memref<1x184x128xf32, #tpu.memory_space<vmem>>
    %dma_start3A_12 = tpu.memref_squeeze %dma_start3A_11 : memref<1x184x128xf32, #tpu.memory_space<vmem>> -> memref<184x128xf32, #tpu.memory_space<vmem>>
    %dma_start3A_13 = arith.constant 0 : i32
    %dma_start3A_14 = tpu.memref_slice %arg2[%multiple_of3A_7, %dma_start3A_13] : memref<100000x128xf32, #tpu.memory_space<hbm>> -> memref<184x128xf32, #tpu.memory_space<hbm>>
    %dma_start3A_15 = tpu.memref_slice %arg9[%dma_start3A_8] : memref<4x!tpu.dma_semaphore, #tpu.memory_space<semaphore_mem>> -> memref<1x!tpu.dma_semaphore, #tpu.memory_space<semaphore_mem>>
    %dma_start3A_16 = tpu.memref_squeeze %dma_start3A_15 : memref<1x!tpu.dma_semaphore, #tpu.memory_space<semaphore_mem>> -> memref<!tpu.dma_semaphore, #tpu.memory_space<semaphore_mem>>
    %dma_start3A_17 = arith.constant 0 : i32
    %dma_start3A_18 = arith.constant 0 : i32
    %dma_start3A_19 = tpu.memref_slice %arg7[%dma_start3A, %dma_start3A_17, %dma_start3A_18] : memref<4x184x128xf32, #tpu.memory_space<vmem>> -> memref<1x184x128xf32, #tpu.memory_space<vmem>>
    %dma_start3A_20 = tpu.memref_squeeze %dma_start3A_19 : memref<1x184x128xf32, #tpu.memory_space<vmem>> -> memref<184x128xf32, #tpu.memory_space<vmem>>
    %dma_start3A_21 = arith.constant 0 : i32
    %dma_start3A_22 = tpu.memref_slice %arg2[%multiple_of3A_7, %dma_start3A_21] : memref<100000x128xf32, #tpu.memory_space<hbm>> -> memref<184x128xf32, #tpu.memory_space<hbm>>
    tpu.enqueue_dma source(%dma_start3A_22 : memref<184x128xf32, #tpu.memory_space<hbm>>) target(%dma_start3A_20 : memref<184x128xf32, #tpu.memory_space<vmem>>) target_semaphore(%dma_start3A_16 : memref<!tpu.dma_semaphore, #tpu.memory_space<semaphore_mem>>)
    %add3A_23 = arith.constant 184 : i32
    %add3A_24 = arith.addi %multiple_of3A, %add3A_23 : i32
    %multiple_of3A_25 = tpu.assume_multiple %add3A_24, 8 : i32
    %dma_start3A_26 = arith.constant 1 : i32
    %dma_start3A_27 = arith.constant 1 : i32
    %dma_start3A_28 = arith.constant 0 : i32
    %dma_start3A_29 = arith.constant 0 : i32
    %dma_start3A_30 = tpu.memref_slice %arg7[%dma_start3A_26, %dma_start3A_28, %dma_start3A_29] : memref<4x184x128xf32, #tpu.memory_space<vmem>> -> memref<1x184x128xf32, #tpu.memory_space<vmem>>
    %dma_start3A_31 = tpu.memref_squeeze %dma_start3A_30 : memref<1x184x128xf32, #tpu.memory_space<vmem>> -> memref<184x128xf32, #tpu.memory_space<vmem>>
    %dma_start3A_32 = arith.constant 0 : i32
    %dma_start3A_33 = tpu.memref_slice %arg2[%multiple_of3A_25, %dma_start3A_32] : memref<100000x128xf32, #tpu.memory_space<hbm>> -> memref<184x128xf32, #tpu.memory_space<hbm>>
    %dma_start3A_34 = tpu.memref_slice %arg9[%dma_start3A_27] : memref<4x!tpu.dma_semaphore, #tpu.memory_space<semaphore_mem>> -> memref<1x!tpu.dma_semaphore, #tpu.memory_space<semaphore_mem>>
    %dma_start3A_35 = tpu.memref_squeeze %dma_start3A_34 : memref<1x!tpu.dma_semaphore, #tpu.memory_space<semaphore_mem>> -> memref<!tpu.dma_semaphore, #tpu.memory_space<semaphore_mem>>
    %dma_start3A_36 = arith.constant 0 : i32
    %dma_start3A_37 = arith.constant 0 : i32
    %dma_start3A_38 = tpu.memref_slice %arg7[%dma_start3A_26, %dma_start3A_36, %dma_start3A_37] : memref<4x184x128xf32, #tpu.memory_space<vmem>> -> memref<1x184x128xf32, #tpu.memory_space<vmem>>
    %dma_start3A_39 = tpu.memref_squeeze %dma_start3A_38 : memref<1x184x128xf32, #tpu.memory_space<vmem>> -> memref<184x128xf32, #tpu.memory_space<vmem>>
    %dma_start3A_40 = arith.constant 0 : i32
    %dma_start3A_41 = tpu.memref_slice %arg2[%multiple_of3A_25, %dma_start3A_40] : memref<100000x128xf32, #tpu.memory_space<hbm>> -> memref<184x128xf32, #tpu.memory_space<hbm>>
    tpu.enqueue_dma source(%dma_start3A_41 : memref<184x128xf32, #tpu.memory_space<hbm>>) target(%dma_start3A_39 : memref<184x128xf32, #tpu.memory_space<vmem>>) target_semaphore(%dma_start3A_35 : memref<!tpu.dma_semaphore, #tpu.memory_space<semaphore_mem>>)
    %add3A_42 = arith.constant 368 : i32
    %add3A_43 = arith.addi %multiple_of3A, %add3A_42 : i32
    %multiple_of3A_44 = tpu.assume_multiple %add3A_43, 8 : i32
    %dma_start3A_45 = arith.constant 2 : i32
    %dma_start3A_46 = arith.constant 2 : i32
    %dma_start3A_47 = arith.constant 0 : i32
    %dma_start3A_48 = arith.constant 0 : i32
    %dma_start3A_49 = tpu.memref_slice %arg7[%dma_start3A_45, %dma_start3A_47, %dma_start3A_48] : memref<4x184x128xf32, #tpu.memory_space<vmem>> -> memref<1x184x128xf32, #tpu.memory_space<vmem>>
    %dma_start3A_50 = tpu.memref_squeeze %dma_start3A_49 : memref<1x184x128xf32, #tpu.memory_space<vmem>> -> memref<184x128xf32, #tpu.memory_space<vmem>>
    %dma_start3A_51 = arith.constant 0 : i32
    %dma_start3A_52 = tpu.memref_slice %arg2[%multiple_of3A_44, %dma_start3A_51] : memref<100000x128xf32, #tpu.memory_space<hbm>> -> memref<184x128xf32, #tpu.memory_space<hbm>>
    %dma_start3A_53 = tpu.memref_slice %arg9[%dma_start3A_46] : memref<4x!tpu.dma_semaphore, #tpu.memory_space<semaphore_mem>> -> memref<1x!tpu.dma_semaphore, #tpu.memory_space<semaphore_mem>>
    %dma_start3A_54 = tpu.memref_squeeze %dma_start3A_53 : memref<1x!tpu.dma_semaphore, #tpu.memory_space<semaphore_mem>> -> memref<!tpu.dma_semaphore, #tpu.memory_space<semaphore_mem>>
    %dma_start3A_55 = arith.constant 0 : i32
    %dma_start3A_56 = arith.constant 0 : i32
    %dma_start3A_57 = tpu.memref_slice %arg7[%dma_start3A_45, %dma_start3A_55, %dma_start3A_56] : memref<4x184x128xf32, #tpu.memory_space<vmem>> -> memref<1x184x128xf32, #tpu.memory_space<vmem>>
    %dma_start3A_58 = tpu.memref_squeeze %dma_start3A_57 : memref<1x184x128xf32, #tpu.memory_space<vmem>> -> memref<184x128xf32, #tpu.memory_space<vmem>>
    %dma_start3A_59 = arith.constant 0 : i32
    %dma_start3A_60 = tpu.memref_slice %arg2[%multiple_of3A_44, %dma_start3A_59] : memref<100000x128xf32, #tpu.memory_space<hbm>> -> memref<184x128xf32, #tpu.memory_space<hbm>>
    tpu.enqueue_dma source(%dma_start3A_60 : memref<184x128xf32, #tpu.memory_space<hbm>>) target(%dma_start3A_58 : memref<184x128xf32, #tpu.memory_space<vmem>>) target_semaphore(%dma_start3A_54 : memref<!tpu.dma_semaphore, #tpu.memory_space<semaphore_mem>>)
    %convert_element_type3A = arith.extui %eq3A_1 : i1 to i32
    %cond3A = arith.constant 0 : i32
    %cond3A_61 = arith.cmpi ne, %convert_element_type3A, %cond3A : i32
    scf.if %cond3A_61 {
      %add3A_113 = arith.constant 2944 : i32
      %add3A_114 = arith.addi %multiple_of3A, %add3A_113 : i32
      %dma_start3A_115 = arith.constant 0 : i32
      %dma_start3A_116 = arith.constant 0 : i32
      %dma_start3A_117 = tpu.memref_slice %arg8[%dma_start3A_115, %dma_start3A_116] : memref<88x128xf32, #tpu.memory_space<vmem>> -> memref<88x128xf32, #tpu.memory_space<vmem>>
      %dma_start3A_118 = arith.constant 0 : i32
      %dma_start3A_119 = tpu.memref_slice %arg2[%add3A_114, %dma_start3A_118] : memref<100000x128xf32, #tpu.memory_space<hbm>> -> memref<88x128xf32, #tpu.memory_space<hbm>>
      %dma_start3A_120 = arith.constant 0 : i32
      %dma_start3A_121 = arith.constant 0 : i32
      %dma_start3A_122 = tpu.memref_slice %arg8[%dma_start3A_120, %dma_start3A_121] : memref<88x128xf32, #tpu.memory_space<vmem>> -> memref<88x128xf32, #tpu.memory_space<vmem>>
      %dma_start3A_123 = arith.constant 0 : i32
      %dma_start3A_124 = tpu.memref_slice %arg2[%add3A_114, %dma_start3A_123] : memref<100000x128xf32, #tpu.memory_space<hbm>> -> memref<88x128xf32, #tpu.memory_space<hbm>>
      tpu.enqueue_dma source(%dma_start3A_124 : memref<88x128xf32, #tpu.memory_space<hbm>>) target(%dma_start3A_122 : memref<88x128xf32, #tpu.memory_space<vmem>>) target_semaphore(%arg12 : memref<!tpu.dma_semaphore, #tpu.memory_space<semaphore_mem>>)
    } else {
    }
    %not3A = arith.constant true
    %not3A_62 = arith.xori %eq3A_1, %not3A : i1
    %convert_element_type3A_63 = arith.extui %not3A_62 : i1 to i32
    %cond3A_64 = arith.constant 0 : i32
    %cond3A_65 = arith.cmpi ne, %convert_element_type3A_63, %cond3A_64 : i32
    scf.if %cond3A_65 {
      "tpu.region"() ({
        %run_scoped3A = tpu.sem_alloc : memref<!tpu.dma_semaphore, #tpu.memory_space<semaphore_mem>>
        %dma_start3A_113 = arith.constant 0 : i32
        %dma_start3A_114 = tpu.memref_slice %arg6[%dma_start3A_113] : memref<3136xi32, #tpu.memory_space<vmem>> -> memref<3128xi32, #tpu.memory_space<vmem>>
        %dma_start3A_115 = tpu.memref_slice %arg3[%multiple_of3A] : memref<100000xi32, #tpu.memory_space<hbm>> -> memref<3128xi32, #tpu.memory_space<hbm>>
        %dma_start3A_116 = arith.constant 0 : i32
        %dma_start3A_117 = tpu.memref_slice %arg6[%dma_start3A_116] : memref<3136xi32, #tpu.memory_space<vmem>> -> memref<3128xi32, #tpu.memory_space<vmem>>
        %dma_start3A_118 = tpu.memref_slice %arg3[%multiple_of3A] : memref<100000xi32, #tpu.memory_space<hbm>> -> memref<3128xi32, #tpu.memory_space<hbm>>
        tpu.enqueue_dma source(%dma_start3A_118 : memref<3128xi32, #tpu.memory_space<hbm>>) target(%dma_start3A_117 : memref<3128xi32, #tpu.memory_space<vmem>>) target_semaphore(%run_scoped3A : memref<!tpu.dma_semaphore, #tpu.memory_space<semaphore_mem>>)
        %dma_wait3A_119 = arith.constant 0 : i32
        %dma_wait3A_120 = tpu.memref_slice %arg6[%dma_wait3A_119] : memref<3136xi32, #tpu.memory_space<vmem>> -> memref<3128xi32, #tpu.memory_space<vmem>>
        %dma_wait3A_121 = tpu.memref_slice %arg3[%multiple_of3A] : memref<100000xi32, #tpu.memory_space<hbm>> -> memref<3128xi32, #tpu.memory_space<hbm>>
        %dma_wait3A_122 = arith.constant 0 : i32
        %dma_wait3A_123 = tpu.memref_slice %arg6[%dma_wait3A_122] : memref<3136xi32, #tpu.memory_space<vmem>> -> memref<3128xi32, #tpu.memory_space<vmem>>
        %dma_wait3A_124 = tpu.memref_slice %arg3[%multiple_of3A] : memref<100000xi32, #tpu.memory_space<hbm>> -> memref<3128xi32, #tpu.memory_space<hbm>>
        tpu.wait_dma2 semaphore(%run_scoped3A : memref<!tpu.dma_semaphore, #tpu.memory_space<semaphore_mem>>) src(%dma_wait3A_124 : memref<3128xi32, #tpu.memory_space<hbm>>) dst(%dma_wait3A_123 : memref<3128xi32, #tpu.memory_space<vmem>>)
        tpu.yield
      }) : () -> ()
    } else {
    }
    %convert_element_type3A_66 = arith.extui %eq3A_1 : i1 to i32
    %cond3A_67 = arith.constant 0 : i32
    %cond3A_68 = arith.cmpi ne, %convert_element_type3A_66, %cond3A_67 : i32
    scf.if %cond3A_68 {
      "tpu.region"() ({
        %run_scoped3A = tpu.sem_alloc : memref<!tpu.dma_semaphore, #tpu.memory_space<semaphore_mem>>
        %dma_start3A_113 = arith.constant 0 : i32
        %dma_start3A_114 = tpu.memref_slice %arg6[%dma_start3A_113] : memref<3136xi32, #tpu.memory_space<vmem>> -> memref<3032xi32, #tpu.memory_space<vmem>>
        %dma_start3A_115 = tpu.memref_slice %arg3[%multiple_of3A] : memref<100000xi32, #tpu.memory_space<hbm>> -> memref<3032xi32, #tpu.memory_space<hbm>>
        %dma_start3A_116 = arith.constant 0 : i32
        %dma_start3A_117 = tpu.memref_slice %arg6[%dma_start3A_116] : memref<3136xi32, #tpu.memory_space<vmem>> -> memref<3032xi32, #tpu.memory_space<vmem>>
        %dma_start3A_118 = tpu.memref_slice %arg3[%multiple_of3A] : memref<100000xi32, #tpu.memory_space<hbm>> -> memref<3032xi32, #tpu.memory_space<hbm>>
        tpu.enqueue_dma source(%dma_start3A_118 : memref<3032xi32, #tpu.memory_space<hbm>>) target(%dma_start3A_117 : memref<3032xi32, #tpu.memory_space<vmem>>) target_semaphore(%run_scoped3A : memref<!tpu.dma_semaphore, #tpu.memory_space<semaphore_mem>>)
        %dma_wait3A_119 = arith.constant 0 : i32
        %dma_wait3A_120 = tpu.memref_slice %arg6[%dma_wait3A_119] : memref<3136xi32, #tpu.memory_space<vmem>> -> memref<3032xi32, #tpu.memory_space<vmem>>
        %dma_wait3A_121 = tpu.memref_slice %arg3[%multiple_of3A] : memref<100000xi32, #tpu.memory_space<hbm>> -> memref<3032xi32, #tpu.memory_space<hbm>>
        %dma_wait3A_122 = arith.constant 0 : i32
        %dma_wait3A_123 = tpu.memref_slice %arg6[%dma_wait3A_122] : memref<3136xi32, #tpu.memory_space<vmem>> -> memref<3032xi32, #tpu.memory_space<vmem>>
        %dma_wait3A_124 = tpu.memref_slice %arg3[%multiple_of3A] : memref<100000xi32, #tpu.memory_space<hbm>> -> memref<3032xi32, #tpu.memory_space<hbm>>
        tpu.wait_dma2 semaphore(%run_scoped3A : memref<!tpu.dma_semaphore, #tpu.memory_space<semaphore_mem>>) src(%dma_wait3A_124 : memref<3032xi32, #tpu.memory_space<hbm>>) dst(%dma_wait3A_123 : memref<3032xi32, #tpu.memory_space<vmem>>)
        tpu.yield
      }) : () -> ()
    } else {
    }
    %eq3A_69 = arith.constant 0 : i32
    %eq3A_70 = arith.cmpi eq, %arg1, %eq3A_69 : i32
    %convert_element_type3A_71 = arith.extui %eq3A_70 : i1 to i32
    %cond3A_72 = arith.constant 0 : i32
    %cond3A_73 = arith.cmpi ne, %convert_element_type3A_71, %cond3A_72 : i32
    scf.if %cond3A_73 {
      "tpu.region"() ({
        %run_scoped3A = tpu.sem_alloc : memref<!tpu.dma_semaphore, #tpu.memory_space<semaphore_mem>>
        tpu.enqueue_dma source(%arg4 : memref<1024x128xf32, #tpu.memory_space<hbm>>) target(%arg14 : memref<1024x128xf32, #tpu.memory_space<vmem_shared>>) target_semaphore(%run_scoped3A : memref<!tpu.dma_semaphore, #tpu.memory_space<semaphore_mem>>)
        tpu.wait_dma2 semaphore(%run_scoped3A : memref<!tpu.dma_semaphore, #tpu.memory_space<semaphore_mem>>) src(%arg4 : memref<1024x128xf32, #tpu.memory_space<hbm>>) dst(%arg14 : memref<1024x128xf32, #tpu.memory_space<vmem_shared>>)
        tpu.yield
      }) : () -> ()
    } else {
    }
    %barrier3A = arith.constant 0 : index
    tpu.barrier barrier_id(%barrier3A)
    %convert_element_type3A_74 = arith.extui %eq3A_1 : i1 to i32
    %cond3A_75 = arith.constant 0 : i32
    %cond3A_76 = arith.cmpi ne, %convert_element_type3A_74, %cond3A_75 : i32
    scf.if %cond3A_76 {
      %add3A_113 = arith.constant 2944 : i32
      %add3A_114 = arith.addi %multiple_of3A, %add3A_113 : i32
      %dma_wait3A_115 = arith.constant 0 : i32
      %dma_wait3A_116 = arith.constant 0 : i32
      %dma_wait3A_117 = tpu.memref_slice %arg8[%dma_wait3A_115, %dma_wait3A_116] : memref<88x128xf32, #tpu.memory_space<vmem>> -> memref<88x128xf32, #tpu.memory_space<vmem>>
      %dma_wait3A_118 = arith.constant 0 : i32
      %dma_wait3A_119 = tpu.memref_slice %arg2[%add3A_114, %dma_wait3A_118] : memref<100000x128xf32, #tpu.memory_space<hbm>> -> memref<88x128xf32, #tpu.memory_space<hbm>>
      %dma_wait3A_120 = arith.constant 0 : i32
      %dma_wait3A_121 = arith.constant 0 : i32
      %dma_wait3A_122 = tpu.memref_slice %arg8[%dma_wait3A_120, %dma_wait3A_121] : memref<88x128xf32, #tpu.memory_space<vmem>> -> memref<88x128xf32, #tpu.memory_space<vmem>>
      %dma_wait3A_123 = arith.constant 0 : i32
      %dma_wait3A_124 = tpu.memref_slice %arg2[%add3A_114, %dma_wait3A_123] : memref<100000x128xf32, #tpu.memory_space<hbm>> -> memref<88x128xf32, #tpu.memory_space<hbm>>
      tpu.wait_dma2 semaphore(%arg12 : memref<!tpu.dma_semaphore, #tpu.memory_space<semaphore_mem>>) src(%dma_wait3A_124 : memref<88x128xf32, #tpu.memory_space<hbm>>) dst(%dma_wait3A_122 : memref<88x128xf32, #tpu.memory_space<vmem>>)
      %dma_start3A_125 = arith.constant 0 : i32
      %dma_start3A_126 = arith.constant 0 : i32
      %dma_start3A_127 = tpu.memref_slice %arg8[%dma_start3A_125, %dma_start3A_126] : memref<88x128xf32, #tpu.memory_space<vmem>> -> memref<88x128xf32, #tpu.memory_space<vmem>>
      %dma_start3A_128 = arith.constant 2944 : i32
      %dma_start3A_129 = tpu.memref_slice %arg6[%dma_start3A_128] : memref<3136xi32, #tpu.memory_space<vmem>> -> memref<88xi32, #tpu.memory_space<vmem>>
      %dma_start3A_130 = arith.constant 0 : i32
      %dma_start3A_131 = arith.constant 0 : i32
      %dma_start3A_132 = tpu.memref_slice %arg14[%dma_start3A_130, %dma_start3A_131] : memref<1024x128xf32, #tpu.memory_space<vmem_shared>> -> memref<1024x128xf32, #tpu.memory_space<vmem_shared>>
      tpu.enqueue_indirect_dma source(%dma_start3A_132 : memref<1024x128xf32, #tpu.memory_space<vmem_shared>>) target(%dma_start3A_127 : memref<88x128xf32, #tpu.memory_space<vmem>>) offsets(%dma_start3A_129 : memref<88xi32, #tpu.memory_space<vmem>>) semaphore(%arg13 : memref<!tpu.dma_semaphore, #tpu.memory_space<semaphore_mem>>) {add = true}
    } else {
    }
    %while3A = arith.constant 0 : i32
    %while3A_77 = arith.constant 0 : i32
    %while3A_78 = arith.subi %select_n3A, %while3A_77 : i32
    %while3A_79 = arith.addi %while3A_77, %while3A_78 : i32
    %while3A_80 = arith.constant 1 : i32
    %while3A_81 = arith.divsi %while3A_78, %while3A_80 : i32
    %while3A_82 = arith.muli %while3A_81, %while3A_80 : i32
    %while3A_83 = arith.addi %while3A_77, %while3A_82 : i32
    %while3A_84 = arith.constant 1 : i32
    scf.for %while3A_113 = %while3A_77 to %while3A_83 step %while3A_84  : i32 {
      %rem3A_114 = arith.constant 4 : i32
      %rem3A_115 = arith.remsi %while3A_113, %rem3A_114 : i32
      %mul3A_116 = arith.constant 184 : i32
      %mul3A_117 = arith.muli %while3A_113, %mul3A_116 : i32
      %add3A_118 = arith.addi %multiple_of3A, %mul3A_117 : i32
      %multiple_of3A_119 = tpu.assume_multiple %add3A_118, 8 : i32
      %dma_wait3A_120 = arith.constant 0 : i32
      %dma_wait3A_121 = arith.constant 0 : i32
      %dma_wait3A_122 = tpu.memref_slice %arg7[%rem3A_115, %dma_wait3A_120, %dma_wait3A_121] : memref<4x184x128xf32, #tpu.memory_space<vmem>> -> memref<1x184x128xf32, #tpu.memory_space<vmem>>
      %dma_wait3A_123 = tpu.memref_squeeze %dma_wait3A_122 : memref<1x184x128xf32, #tpu.memory_space<vmem>> -> memref<184x128xf32, #tpu.memory_space<vmem>>
      %dma_wait3A_124 = arith.constant 0 : i32
      %dma_wait3A_125 = tpu.memref_slice %arg2[%multiple_of3A_119, %dma_wait3A_124] : memref<100000x128xf32, #tpu.memory_space<hbm>> -> memref<184x128xf32, #tpu.memory_space<hbm>>
      %dma_wait3A_126 = tpu.memref_slice %arg9[%rem3A_115] : memref<4x!tpu.dma_semaphore, #tpu.memory_space<semaphore_mem>> -> memref<1x!tpu.dma_semaphore, #tpu.memory_space<semaphore_mem>>
      %dma_wait3A_127 = tpu.memref_squeeze %dma_wait3A_126 : memref<1x!tpu.dma_semaphore, #tpu.memory_space<semaphore_mem>> -> memref<!tpu.dma_semaphore, #tpu.memory_space<semaphore_mem>>
      %dma_wait3A_128 = arith.constant 0 : i32
      %dma_wait3A_129 = arith.constant 0 : i32
      %dma_wait3A_130 = tpu.memref_slice %arg7[%rem3A_115, %dma_wait3A_128, %dma_wait3A_129] : memref<4x184x128xf32, #tpu.memory_space<vmem>> -> memref<1x184x128xf32, #tpu.memory_space<vmem>>
      %dma_wait3A_131 = tpu.memref_squeeze %dma_wait3A_130 : memref<1x184x128xf32, #tpu.memory_space<vmem>> -> memref<184x128xf32, #tpu.memory_space<vmem>>
      %dma_wait3A_132 = arith.constant 0 : i32
      %dma_wait3A_133 = tpu.memref_slice %arg2[%multiple_of3A_119, %dma_wait3A_132] : memref<100000x128xf32, #tpu.memory_space<hbm>> -> memref<184x128xf32, #tpu.memory_space<hbm>>
      tpu.wait_dma2 semaphore(%dma_wait3A_127 : memref<!tpu.dma_semaphore, #tpu.memory_space<semaphore_mem>>) src(%dma_wait3A_133 : memref<184x128xf32, #tpu.memory_space<hbm>>) dst(%dma_wait3A_131 : memref<184x128xf32, #tpu.memory_space<vmem>>)
      %mul3A_134 = arith.constant 184 : i32
      %mul3A_135 = arith.muli %while3A_113, %mul3A_134 : i32
      %add3A_136 = arith.constant 0 : i32
      %add3A_137 = arith.addi %mul3A_135, %add3A_136 : i32
      %dma_start3A_138 = arith.constant 0 : i32
      %dma_start3A_139 = arith.constant 0 : i32
      %dma_start3A_140 = tpu.memref_slice %arg7[%rem3A_115, %dma_start3A_138, %dma_start3A_139] : memref<4x184x128xf32, #tpu.memory_space<vmem>> -> memref<1x184x128xf32, #tpu.memory_space<vmem>>
      %dma_start3A_141 = tpu.memref_squeeze %dma_start3A_140 : memref<1x184x128xf32, #tpu.memory_space<vmem>> -> memref<184x128xf32, #tpu.memory_space<vmem>>
      %dma_start3A_142 = arith.constant 0 : i32
      %dma_start3A_143 = arith.constant 0 : i32
      %dma_start3A_144 = tpu.memref_slice %dma_start3A_141[%dma_start3A_142, %dma_start3A_143] : memref<184x128xf32, #tpu.memory_space<vmem>> -> memref<128x128xf32, #tpu.memory_space<vmem>>
      %dma_start3A_145 = tpu.memref_slice %arg6[%add3A_137] : memref<3136xi32, #tpu.memory_space<vmem>> -> memref<128xi32, #tpu.memory_space<vmem>>
      %dma_start3A_146 = arith.constant 0 : i32
      %dma_start3A_147 = arith.constant 0 : i32
      %dma_start3A_148 = tpu.memref_slice %arg14[%dma_start3A_146, %dma_start3A_147] : memref<1024x128xf32, #tpu.memory_space<vmem_shared>> -> memref<1024x128xf32, #tpu.memory_space<vmem_shared>>
      tpu.enqueue_indirect_dma source(%dma_start3A_148 : memref<1024x128xf32, #tpu.memory_space<vmem_shared>>) target(%dma_start3A_144 : memref<128x128xf32, #tpu.memory_space<vmem>>) offsets(%dma_start3A_145 : memref<128xi32, #tpu.memory_space<vmem>>) semaphore(%arg11 : memref<!tpu.dma_semaphore, #tpu.memory_space<semaphore_mem>>) {add = true}
      %mul3A_149 = arith.constant 184 : i32
      %mul3A_150 = arith.muli %while3A_113, %mul3A_149 : i32
      %add3A_151 = arith.constant 128 : i32
      %add3A_152 = arith.addi %mul3A_150, %add3A_151 : i32
      %dma_start3A_153 = arith.constant 0 : i32
      %dma_start3A_154 = arith.constant 0 : i32
      %dma_start3A_155 = tpu.memref_slice %arg7[%rem3A_115, %dma_start3A_153, %dma_start3A_154] : memref<4x184x128xf32, #tpu.memory_space<vmem>> -> memref<1x184x128xf32, #tpu.memory_space<vmem>>
      %dma_start3A_156 = tpu.memref_squeeze %dma_start3A_155 : memref<1x184x128xf32, #tpu.memory_space<vmem>> -> memref<184x128xf32, #tpu.memory_space<vmem>>
      %dma_start3A_157 = arith.constant 128 : i32
      %dma_start3A_158 = arith.constant 0 : i32
      %dma_start3A_159 = tpu.memref_slice %dma_start3A_156[%dma_start3A_157, %dma_start3A_158] : memref<184x128xf32, #tpu.memory_space<vmem>> -> memref<56x128xf32, #tpu.memory_space<vmem>>
      %dma_start3A_160 = tpu.memref_slice %arg6[%add3A_152] : memref<3136xi32, #tpu.memory_space<vmem>> -> memref<56xi32, #tpu.memory_space<vmem>>
      %dma_start3A_161 = arith.constant 0 : i32
      %dma_start3A_162 = arith.constant 0 : i32
      %dma_start3A_163 = tpu.memref_slice %arg14[%dma_start3A_161, %dma_start3A_162] : memref<1024x128xf32, #tpu.memory_space<vmem_shared>> -> memref<1024x128xf32, #tpu.memory_space<vmem_shared>>
      tpu.enqueue_indirect_dma source(%dma_start3A_163 : memref<1024x128xf32, #tpu.memory_space<vmem_shared>>) target(%dma_start3A_159 : memref<56x128xf32, #tpu.memory_space<vmem>>) offsets(%dma_start3A_160 : memref<56xi32, #tpu.memory_space<vmem>>) semaphore(%arg11 : memref<!tpu.dma_semaphore, #tpu.memory_space<semaphore_mem>>) {add = true}
      %ge3A = arith.constant 1 : i32
      %ge3A_164 = arith.cmpi sge, %while3A_113, %ge3A : i32
      %convert_element_type3A_165 = arith.extui %ge3A_164 : i1 to i32
      %cond3A_166 = arith.constant 0 : i32
      %cond3A_167 = arith.cmpi ne, %convert_element_type3A_165, %cond3A_166 : i32
      scf.if %cond3A_167 {
        %sub3A_213 = arith.constant 1 : i32
        %sub3A_214 = arith.subi %while3A_113, %sub3A_213 : i32
        %sub3A_215 = arith.constant 1 : i32
        %sub3A_216 = arith.subi %while3A_113, %sub3A_215 : i32
        %rem3A_217 = arith.constant 4 : i32
        %rem3A_218 = arith.remsi %sub3A_216, %rem3A_217 : i32
        %mul3A_219 = arith.constant 184 : i32
        %mul3A_220 = arith.muli %sub3A_214, %mul3A_219 : i32
        %add3A_221 = arith.addi %multiple_of3A, %mul3A_220 : i32
        %multiple_of3A_222 = tpu.assume_multiple %add3A_221, 8 : i32
        %dma_wait3A_223 = arith.constant 0 : i32
        %dma_wait3A_224 = arith.constant 0 : i32
        %dma_wait3A_225 = tpu.memref_slice %arg7[%rem3A_218, %dma_wait3A_223, %dma_wait3A_224] : memref<4x184x128xf32, #tpu.memory_space<vmem>> -> memref<1x184x128xf32, #tpu.memory_space<vmem>>
        %dma_wait3A_226 = tpu.memref_squeeze %dma_wait3A_225 : memref<1x184x128xf32, #tpu.memory_space<vmem>> -> memref<184x128xf32, #tpu.memory_space<vmem>>
        %dma_wait3A_227 = arith.constant 0 : i32
        %dma_wait3A_228 = tpu.memref_slice %arg5[%multiple_of3A_222, %dma_wait3A_227] : memref<100000x128xf32, #tpu.memory_space<hbm>> -> memref<184x128xf32, #tpu.memory_space<hbm>>
        %dma_wait3A_229 = tpu.memref_slice %arg10[%rem3A_218] : memref<4x!tpu.dma_semaphore, #tpu.memory_space<semaphore_mem>> -> memref<1x!tpu.dma_semaphore, #tpu.memory_space<semaphore_mem>>
        %dma_wait3A_230 = tpu.memref_squeeze %dma_wait3A_229 : memref<1x!tpu.dma_semaphore, #tpu.memory_space<semaphore_mem>> -> memref<!tpu.dma_semaphore, #tpu.memory_space<semaphore_mem>>
        %dma_wait3A_231 = arith.constant 0 : i32
        %dma_wait3A_232 = tpu.memref_slice %arg5[%multiple_of3A_222, %dma_wait3A_231] : memref<100000x128xf32, #tpu.memory_space<hbm>> -> memref<184x128xf32, #tpu.memory_space<hbm>>
        %dma_wait3A_233 = arith.constant 0 : i32
        %dma_wait3A_234 = arith.constant 0 : i32
        %dma_wait3A_235 = tpu.memref_slice %arg7[%rem3A_218, %dma_wait3A_233, %dma_wait3A_234] : memref<4x184x128xf32, #tpu.memory_space<vmem>> -> memref<1x184x128xf32, #tpu.memory_space<vmem>>
        %dma_wait3A_236 = tpu.memref_squeeze %dma_wait3A_235 : memref<1x184x128xf32, #tpu.memory_space<vmem>> -> memref<184x128xf32, #tpu.memory_space<vmem>>
        tpu.wait_dma2 semaphore(%dma_wait3A_230 : memref<!tpu.dma_semaphore, #tpu.memory_space<semaphore_mem>>) src(%dma_wait3A_236 : memref<184x128xf32, #tpu.memory_space<vmem>>) dst(%dma_wait3A_232 : memref<184x128xf32, #tpu.memory_space<hbm>>)
      } else {
      }
      %add3A_168 = arith.constant 3 : i32
      %add3A_169 = arith.addi %while3A_113, %add3A_168 : i32
      %lt3A = arith.cmpi slt, %add3A_169, %select_n3A : i32
      %convert_element_type3A_170 = arith.extui %lt3A : i1 to i32
      %cond3A_171 = arith.constant 0 : i32
      %cond3A_172 = arith.cmpi ne, %convert_element_type3A_170, %cond3A_171 : i32
      scf.if %cond3A_172 {
        %add3A_213 = arith.constant 3 : i32
        %add3A_214 = arith.addi %while3A_113, %add3A_213 : i32
        %add3A_215 = arith.constant 3 : i32
        %add3A_216 = arith.addi %while3A_113, %add3A_215 : i32
        %rem3A_217 = arith.constant 4 : i32
        %rem3A_218 = arith.remsi %add3A_216, %rem3A_217 : i32
        %mul3A_219 = arith.constant 184 : i32
        %mul3A_220 = arith.muli %add3A_214, %mul3A_219 : i32
        %add3A_221 = arith.addi %multiple_of3A, %mul3A_220 : i32
        %multiple_of3A_222 = tpu.assume_multiple %add3A_221, 8 : i32
        %dma_start3A_223 = arith.constant 0 : i32
        %dma_start3A_224 = arith.constant 0 : i32
        %dma_start3A_225 = tpu.memref_slice %arg7[%rem3A_218, %dma_start3A_223, %dma_start3A_224] : memref<4x184x128xf32, #tpu.memory_space<vmem>> -> memref<1x184x128xf32, #tpu.memory_space<vmem>>
        %dma_start3A_226 = tpu.memref_squeeze %dma_start3A_225 : memref<1x184x128xf32, #tpu.memory_space<vmem>> -> memref<184x128xf32, #tpu.memory_space<vmem>>
        %dma_start3A_227 = arith.constant 0 : i32
        %dma_start3A_228 = tpu.memref_slice %arg2[%multiple_of3A_222, %dma_start3A_227] : memref<100000x128xf32, #tpu.memory_space<hbm>> -> memref<184x128xf32, #tpu.memory_space<hbm>>
        %dma_start3A_229 = tpu.memref_slice %arg9[%rem3A_218] : memref<4x!tpu.dma_semaphore, #tpu.memory_space<semaphore_mem>> -> memref<1x!tpu.dma_semaphore, #tpu.memory_space<semaphore_mem>>
        %dma_start3A_230 = tpu.memref_squeeze %dma_start3A_229 : memref<1x!tpu.dma_semaphore, #tpu.memory_space<semaphore_mem>> -> memref<!tpu.dma_semaphore, #tpu.memory_space<semaphore_mem>>
        %dma_start3A_231 = arith.constant 0 : i32
        %dma_start3A_232 = arith.constant 0 : i32
        %dma_start3A_233 = tpu.memref_slice %arg7[%rem3A_218, %dma_start3A_231, %dma_start3A_232] : memref<4x184x128xf32, #tpu.memory_space<vmem>> -> memref<1x184x128xf32, #tpu.memory_space<vmem>>
        %dma_start3A_234 = tpu.memref_squeeze %dma_start3A_233 : memref<1x184x128xf32, #tpu.memory_space<vmem>> -> memref<184x128xf32, #tpu.memory_space<vmem>>
        %dma_start3A_235 = arith.constant 0 : i32
        %dma_start3A_236 = tpu.memref_slice %arg2[%multiple_of3A_222, %dma_start3A_235] : memref<100000x128xf32, #tpu.memory_space<hbm>> -> memref<184x128xf32, #tpu.memory_space<hbm>>
        tpu.enqueue_dma source(%dma_start3A_236 : memref<184x128xf32, #tpu.memory_space<hbm>>) target(%dma_start3A_234 : memref<184x128xf32, #tpu.memory_space<vmem>>) target_semaphore(%dma_start3A_230 : memref<!tpu.dma_semaphore, #tpu.memory_space<semaphore_mem>>)
      } else {
      }
      %dma_wait3A_173 = arith.constant 0 : i32
      %dma_wait3A_174 = arith.constant 0 : i32
      %dma_wait3A_175 = tpu.memref_slice %arg7[%rem3A_115, %dma_wait3A_173, %dma_wait3A_174] : memref<4x184x128xf32, #tpu.memory_space<vmem>> -> memref<1x184x128xf32, #tpu.memory_space<vmem>>
      %dma_wait3A_176 = tpu.memref_squeeze %dma_wait3A_175 : memref<1x184x128xf32, #tpu.memory_space<vmem>> -> memref<184x128xf32, #tpu.memory_space<vmem>>
      %dma_wait3A_177 = arith.constant 0 : i32
      %dma_wait3A_178 = arith.constant 0 : i32
      %dma_wait3A_179 = tpu.memref_slice %dma_wait3A_176[%dma_wait3A_177, %dma_wait3A_178] : memref<184x128xf32, #tpu.memory_space<vmem>> -> memref<128x128xf32, #tpu.memory_space<vmem>>
      %dma_wait3A_180 = tpu.memref_slice %arg6[%add3A_137] : memref<3136xi32, #tpu.memory_space<vmem>> -> memref<128xi32, #tpu.memory_space<vmem>>
      %dma_wait3A_181 = arith.constant 0 : i32
      %dma_wait3A_182 = arith.constant 0 : i32
      %dma_wait3A_183 = tpu.memref_slice %arg14[%dma_wait3A_181, %dma_wait3A_182] : memref<1024x128xf32, #tpu.memory_space<vmem_shared>> -> memref<1024x128xf32, #tpu.memory_space<vmem_shared>>
      tpu.wait_indirect_dma semaphore(%arg11 : memref<!tpu.dma_semaphore, #tpu.memory_space<semaphore_mem>>) src(%dma_wait3A_183 : memref<1024x128xf32, #tpu.memory_space<vmem_shared>>) dst(%dma_wait3A_179 : memref<128x128xf32, #tpu.memory_space<vmem>>)
      %dma_wait3A_184 = arith.constant 0 : i32
      %dma_wait3A_185 = arith.constant 0 : i32
      %dma_wait3A_186 = tpu.memref_slice %arg7[%rem3A_115, %dma_wait3A_184, %dma_wait3A_185] : memref<4x184x128xf32, #tpu.memory_space<vmem>> -> memref<1x184x128xf32, #tpu.memory_space<vmem>>
      %dma_wait3A_187 = tpu.memref_squeeze %dma_wait3A_186 : memref<1x184x128xf32, #tpu.memory_space<vmem>> -> memref<184x128xf32, #tpu.memory_space<vmem>>
      %dma_wait3A_188 = arith.constant 128 : i32
      %dma_wait3A_189 = arith.constant 0 : i32
      %dma_wait3A_190 = tpu.memref_slice %dma_wait3A_187[%dma_wait3A_188, %dma_wait3A_189] : memref<184x128xf32, #tpu.memory_space<vmem>> -> memref<56x128xf32, #tpu.memory_space<vmem>>
      %dma_wait3A_191 = tpu.memref_slice %arg6[%add3A_152] : memref<3136xi32, #tpu.memory_space<vmem>> -> memref<56xi32, #tpu.memory_space<vmem>>
      %dma_wait3A_192 = arith.constant 0 : i32
      %dma_wait3A_193 = arith.constant 0 : i32
      %dma_wait3A_194 = tpu.memref_slice %arg14[%dma_wait3A_192, %dma_wait3A_193] : memref<1024x128xf32, #tpu.memory_space<vmem_shared>> -> memref<1024x128xf32, #tpu.memory_space<vmem_shared>>
      tpu.wait_indirect_dma semaphore(%arg11 : memref<!tpu.dma_semaphore, #tpu.memory_space<semaphore_mem>>) src(%dma_wait3A_194 : memref<1024x128xf32, #tpu.memory_space<vmem_shared>>) dst(%dma_wait3A_190 : memref<56x128xf32, #tpu.memory_space<vmem>>)
      %mul3A_195 = arith.constant 184 : i32
      %mul3A_196 = arith.muli %while3A_113, %mul3A_195 : i32
      %add3A_197 = arith.addi %multiple_of3A, %mul3A_196 : i32
      %multiple_of3A_198 = tpu.assume_multiple %add3A_197, 8 : i32
      %dma_start3A_199 = arith.constant 0 : i32
      %dma_start3A_200 = arith.constant 0 : i32
      %dma_start3A_201 = tpu.memref_slice %arg7[%rem3A_115, %dma_start3A_199, %dma_start3A_200] : memref<4x184x128xf32, #tpu.memory_space<vmem>> -> memref<1x184x128xf32, #tpu.memory_space<vmem>>
      %dma_start3A_202 = tpu.memref_squeeze %dma_start3A_201 : memref<1x184x128xf32, #tpu.memory_space<vmem>> -> memref<184x128xf32, #tpu.memory_space<vmem>>
      %dma_start3A_203 = arith.constant 0 : i32
      %dma_start3A_204 = tpu.memref_slice %arg5[%multiple_of3A_198, %dma_start3A_203] : memref<100000x128xf32, #tpu.memory_space<hbm>> -> memref<184x128xf32, #tpu.memory_space<hbm>>
      %dma_start3A_205 = tpu.memref_slice %arg10[%rem3A_115] : memref<4x!tpu.dma_semaphore, #tpu.memory_space<semaphore_mem>> -> memref<1x!tpu.dma_semaphore, #tpu.memory_space<semaphore_mem>>
      %dma_start3A_206 = tpu.memref_squeeze %dma_start3A_205 : memref<1x!tpu.dma_semaphore, #tpu.memory_space<semaphore_mem>> -> memref<!tpu.dma_semaphore, #tpu.memory_space<semaphore_mem>>
      %dma_start3A_207 = arith.constant 0 : i32
      %dma_start3A_208 = tpu.memref_slice %arg5[%multiple_of3A_198, %dma_start3A_207] : memref<100000x128xf32, #tpu.memory_space<hbm>> -> memref<184x128xf32, #tpu.memory_space<hbm>>
      %dma_start3A_209 = arith.constant 0 : i32
      %dma_start3A_210 = arith.constant 0 : i32
      %dma_start3A_211 = tpu.memref_slice %arg7[%rem3A_115, %dma_start3A_209, %dma_start3A_210] : memref<4x184x128xf32, #tpu.memory_space<vmem>> -> memref<1x184x128xf32, #tpu.memory_space<vmem>>
      %dma_start3A_212 = tpu.memref_squeeze %dma_start3A_211 : memref<1x184x128xf32, #tpu.memory_space<vmem>> -> memref<184x128xf32, #tpu.memory_space<vmem>>
      tpu.enqueue_dma source(%dma_start3A_212 : memref<184x128xf32, #tpu.memory_space<vmem>>) target(%dma_start3A_208 : memref<184x128xf32, #tpu.memory_space<hbm>>) target_semaphore(%dma_start3A_206 : memref<!tpu.dma_semaphore, #tpu.memory_space<semaphore_mem>>)
    }
    %while3A_85 = arith.constant 1 : i32
    scf.for %while3A_113 = %while3A_83 to %while3A_79 step %while3A_85  : i32 {
      %rem3A_114 = arith.constant 4 : i32
      %rem3A_115 = arith.remsi %while3A_113, %rem3A_114 : i32
      %mul3A_116 = arith.constant 184 : i32
      %mul3A_117 = arith.muli %while3A_113, %mul3A_116 : i32
      %add3A_118 = arith.addi %multiple_of3A, %mul3A_117 : i32
      %multiple_of3A_119 = tpu.assume_multiple %add3A_118, 8 : i32
      %dma_wait3A_120 = arith.constant 0 : i32
      %dma_wait3A_121 = arith.constant 0 : i32
      %dma_wait3A_122 = tpu.memref_slice %arg7[%rem3A_115, %dma_wait3A_120, %dma_wait3A_121] : memref<4x184x128xf32, #tpu.memory_space<vmem>> -> memref<1x184x128xf32, #tpu.memory_space<vmem>>
      %dma_wait3A_123 = tpu.memref_squeeze %dma_wait3A_122 : memref<1x184x128xf32, #tpu.memory_space<vmem>> -> memref<184x128xf32, #tpu.memory_space<vmem>>
      %dma_wait3A_124 = arith.constant 0 : i32
      %dma_wait3A_125 = tpu.memref_slice %arg2[%multiple_of3A_119, %dma_wait3A_124] : memref<100000x128xf32, #tpu.memory_space<hbm>> -> memref<184x128xf32, #tpu.memory_space<hbm>>
      %dma_wait3A_126 = tpu.memref_slice %arg9[%rem3A_115] : memref<4x!tpu.dma_semaphore, #tpu.memory_space<semaphore_mem>> -> memref<1x!tpu.dma_semaphore, #tpu.memory_space<semaphore_mem>>
      %dma_wait3A_127 = tpu.memref_squeeze %dma_wait3A_126 : memref<1x!tpu.dma_semaphore, #tpu.memory_space<semaphore_mem>> -> memref<!tpu.dma_semaphore, #tpu.memory_space<semaphore_mem>>
      %dma_wait3A_128 = arith.constant 0 : i32
      %dma_wait3A_129 = arith.constant 0 : i32
      %dma_wait3A_130 = tpu.memref_slice %arg7[%rem3A_115, %dma_wait3A_128, %dma_wait3A_129] : memref<4x184x128xf32, #tpu.memory_space<vmem>> -> memref<1x184x128xf32, #tpu.memory_space<vmem>>
      %dma_wait3A_131 = tpu.memref_squeeze %dma_wait3A_130 : memref<1x184x128xf32, #tpu.memory_space<vmem>> -> memref<184x128xf32, #tpu.memory_space<vmem>>
      %dma_wait3A_132 = arith.constant 0 : i32
      %dma_wait3A_133 = tpu.memref_slice %arg2[%multiple_of3A_119, %dma_wait3A_132] : memref<100000x128xf32, #tpu.memory_space<hbm>> -> memref<184x128xf32, #tpu.memory_space<hbm>>
      tpu.wait_dma2 semaphore(%dma_wait3A_127 : memref<!tpu.dma_semaphore, #tpu.memory_space<semaphore_mem>>) src(%dma_wait3A_133 : memref<184x128xf32, #tpu.memory_space<hbm>>) dst(%dma_wait3A_131 : memref<184x128xf32, #tpu.memory_space<vmem>>)
      %mul3A_134 = arith.constant 184 : i32
      %mul3A_135 = arith.muli %while3A_113, %mul3A_134 : i32
      %add3A_136 = arith.constant 0 : i32
      %add3A_137 = arith.addi %mul3A_135, %add3A_136 : i32
      %dma_start3A_138 = arith.constant 0 : i32
      %dma_start3A_139 = arith.constant 0 : i32
      %dma_start3A_140 = tpu.memref_slice %arg7[%rem3A_115, %dma_start3A_138, %dma_start3A_139] : memref<4x184x128xf32, #tpu.memory_space<vmem>> -> memref<1x184x128xf32, #tpu.memory_space<vmem>>
      %dma_start3A_141 = tpu.memref_squeeze %dma_start3A_140 : memref<1x184x128xf32, #tpu.memory_space<vmem>> -> memref<184x128xf32, #tpu.memory_space<vmem>>
      %dma_start3A_142 = arith.constant 0 : i32
      %dma_start3A_143 = arith.constant 0 : i32
      %dma_start3A_144 = tpu.memref_slice %dma_start3A_141[%dma_start3A_142, %dma_start3A_143] : memref<184x128xf32, #tpu.memory_space<vmem>> -> memref<128x128xf32, #tpu.memory_space<vmem>>
      %dma_start3A_145 = tpu.memref_slice %arg6[%add3A_137] : memref<3136xi32, #tpu.memory_space<vmem>> -> memref<128xi32, #tpu.memory_space<vmem>>
      %dma_start3A_146 = arith.constant 0 : i32
      %dma_start3A_147 = arith.constant 0 : i32
      %dma_start3A_148 = tpu.memref_slice %arg14[%dma_start3A_146, %dma_start3A_147] : memref<1024x128xf32, #tpu.memory_space<vmem_shared>> -> memref<1024x128xf32, #tpu.memory_space<vmem_shared>>
      tpu.enqueue_indirect_dma source(%dma_start3A_148 : memref<1024x128xf32, #tpu.memory_space<vmem_shared>>) target(%dma_start3A_144 : memref<128x128xf32, #tpu.memory_space<vmem>>) offsets(%dma_start3A_145 : memref<128xi32, #tpu.memory_space<vmem>>) semaphore(%arg11 : memref<!tpu.dma_semaphore, #tpu.memory_space<semaphore_mem>>) {add = true}
      %mul3A_149 = arith.constant 184 : i32
      %mul3A_150 = arith.muli %while3A_113, %mul3A_149 : i32
      %add3A_151 = arith.constant 128 : i32
      %add3A_152 = arith.addi %mul3A_150, %add3A_151 : i32
      %dma_start3A_153 = arith.constant 0 : i32
      %dma_start3A_154 = arith.constant 0 : i32
      %dma_start3A_155 = tpu.memref_slice %arg7[%rem3A_115, %dma_start3A_153, %dma_start3A_154] : memref<4x184x128xf32, #tpu.memory_space<vmem>> -> memref<1x184x128xf32, #tpu.memory_space<vmem>>
      %dma_start3A_156 = tpu.memref_squeeze %dma_start3A_155 : memref<1x184x128xf32, #tpu.memory_space<vmem>> -> memref<184x128xf32, #tpu.memory_space<vmem>>
      %dma_start3A_157 = arith.constant 128 : i32
      %dma_start3A_158 = arith.constant 0 : i32
      %dma_start3A_159 = tpu.memref_slice %dma_start3A_156[%dma_start3A_157, %dma_start3A_158] : memref<184x128xf32, #tpu.memory_space<vmem>> -> memref<56x128xf32, #tpu.memory_space<vmem>>
      %dma_start3A_160 = tpu.memref_slice %arg6[%add3A_152] : memref<3136xi32, #tpu.memory_space<vmem>> -> memref<56xi32, #tpu.memory_space<vmem>>
      %dma_start3A_161 = arith.constant 0 : i32
      %dma_start3A_162 = arith.constant 0 : i32
      %dma_start3A_163 = tpu.memref_slice %arg14[%dma_start3A_161, %dma_start3A_162] : memref<1024x128xf32, #tpu.memory_space<vmem_shared>> -> memref<1024x128xf32, #tpu.memory_space<vmem_shared>>
      tpu.enqueue_indirect_dma source(%dma_start3A_163 : memref<1024x128xf32, #tpu.memory_space<vmem_shared>>) target(%dma_start3A_159 : memref<56x128xf32, #tpu.memory_space<vmem>>) offsets(%dma_start3A_160 : memref<56xi32, #tpu.memory_space<vmem>>) semaphore(%arg11 : memref<!tpu.dma_semaphore, #tpu.memory_space<semaphore_mem>>) {add = true}
      %ge3A = arith.constant 1 : i32
      %ge3A_164 = arith.cmpi sge, %while3A_113, %ge3A : i32
      %convert_element_type3A_165 = arith.extui %ge3A_164 : i1 to i32
      %cond3A_166 = arith.constant 0 : i32
      %cond3A_167 = arith.cmpi ne, %convert_element_type3A_165, %cond3A_166 : i32
      scf.if %cond3A_167 {
        %sub3A_213 = arith.constant 1 : i32
        %sub3A_214 = arith.subi %while3A_113, %sub3A_213 : i32
        %sub3A_215 = arith.constant 1 : i32
        %sub3A_216 = arith.subi %while3A_113, %sub3A_215 : i32
        %rem3A_217 = arith.constant 4 : i32
        %rem3A_218 = arith.remsi %sub3A_216, %rem3A_217 : i32
        %mul3A_219 = arith.constant 184 : i32
        %mul3A_220 = arith.muli %sub3A_214, %mul3A_219 : i32
        %add3A_221 = arith.addi %multiple_of3A, %mul3A_220 : i32
        %multiple_of3A_222 = tpu.assume_multiple %add3A_221, 8 : i32
        %dma_wait3A_223 = arith.constant 0 : i32
        %dma_wait3A_224 = arith.constant 0 : i32
        %dma_wait3A_225 = tpu.memref_slice %arg7[%rem3A_218, %dma_wait3A_223, %dma_wait3A_224] : memref<4x184x128xf32, #tpu.memory_space<vmem>> -> memref<1x184x128xf32, #tpu.memory_space<vmem>>
        %dma_wait3A_226 = tpu.memref_squeeze %dma_wait3A_225 : memref<1x184x128xf32, #tpu.memory_space<vmem>> -> memref<184x128xf32, #tpu.memory_space<vmem>>
        %dma_wait3A_227 = arith.constant 0 : i32
        %dma_wait3A_228 = tpu.memref_slice %arg5[%multiple_of3A_222, %dma_wait3A_227] : memref<100000x128xf32, #tpu.memory_space<hbm>> -> memref<184x128xf32, #tpu.memory_space<hbm>>
        %dma_wait3A_229 = tpu.memref_slice %arg10[%rem3A_218] : memref<4x!tpu.dma_semaphore, #tpu.memory_space<semaphore_mem>> -> memref<1x!tpu.dma_semaphore, #tpu.memory_space<semaphore_mem>>
        %dma_wait3A_230 = tpu.memref_squeeze %dma_wait3A_229 : memref<1x!tpu.dma_semaphore, #tpu.memory_space<semaphore_mem>> -> memref<!tpu.dma_semaphore, #tpu.memory_space<semaphore_mem>>
        %dma_wait3A_231 = arith.constant 0 : i32
        %dma_wait3A_232 = tpu.memref_slice %arg5[%multiple_of3A_222, %dma_wait3A_231] : memref<100000x128xf32, #tpu.memory_space<hbm>> -> memref<184x128xf32, #tpu.memory_space<hbm>>
        %dma_wait3A_233 = arith.constant 0 : i32
        %dma_wait3A_234 = arith.constant 0 : i32
        %dma_wait3A_235 = tpu.memref_slice %arg7[%rem3A_218, %dma_wait3A_233, %dma_wait3A_234] : memref<4x184x128xf32, #tpu.memory_space<vmem>> -> memref<1x184x128xf32, #tpu.memory_space<vmem>>
        %dma_wait3A_236 = tpu.memref_squeeze %dma_wait3A_235 : memref<1x184x128xf32, #tpu.memory_space<vmem>> -> memref<184x128xf32, #tpu.memory_space<vmem>>
        tpu.wait_dma2 semaphore(%dma_wait3A_230 : memref<!tpu.dma_semaphore, #tpu.memory_space<semaphore_mem>>) src(%dma_wait3A_236 : memref<184x128xf32, #tpu.memory_space<vmem>>) dst(%dma_wait3A_232 : memref<184x128xf32, #tpu.memory_space<hbm>>)
      } else {
      }
      %add3A_168 = arith.constant 3 : i32
      %add3A_169 = arith.addi %while3A_113, %add3A_168 : i32
      %lt3A = arith.cmpi slt, %add3A_169, %select_n3A : i32
      %convert_element_type3A_170 = arith.extui %lt3A : i1 to i32
      %cond3A_171 = arith.constant 0 : i32
      %cond3A_172 = arith.cmpi ne, %convert_element_type3A_170, %cond3A_171 : i32
      scf.if %cond3A_172 {
        %add3A_213 = arith.constant 3 : i32
        %add3A_214 = arith.addi %while3A_113, %add3A_213 : i32
        %add3A_215 = arith.constant 3 : i32
        %add3A_216 = arith.addi %while3A_113, %add3A_215 : i32
        %rem3A_217 = arith.constant 4 : i32
        %rem3A_218 = arith.remsi %add3A_216, %rem3A_217 : i32
        %mul3A_219 = arith.constant 184 : i32
        %mul3A_220 = arith.muli %add3A_214, %mul3A_219 : i32
        %add3A_221 = arith.addi %multiple_of3A, %mul3A_220 : i32
        %multiple_of3A_222 = tpu.assume_multiple %add3A_221, 8 : i32
        %dma_start3A_223 = arith.constant 0 : i32
        %dma_start3A_224 = arith.constant 0 : i32
        %dma_start3A_225 = tpu.memref_slice %arg7[%rem3A_218, %dma_start3A_223, %dma_start3A_224] : memref<4x184x128xf32, #tpu.memory_space<vmem>> -> memref<1x184x128xf32, #tpu.memory_space<vmem>>
        %dma_start3A_226 = tpu.memref_squeeze %dma_start3A_225 : memref<1x184x128xf32, #tpu.memory_space<vmem>> -> memref<184x128xf32, #tpu.memory_space<vmem>>
        %dma_start3A_227 = arith.constant 0 : i32
        %dma_start3A_228 = tpu.memref_slice %arg2[%multiple_of3A_222, %dma_start3A_227] : memref<100000x128xf32, #tpu.memory_space<hbm>> -> memref<184x128xf32, #tpu.memory_space<hbm>>
        %dma_start3A_229 = tpu.memref_slice %arg9[%rem3A_218] : memref<4x!tpu.dma_semaphore, #tpu.memory_space<semaphore_mem>> -> memref<1x!tpu.dma_semaphore, #tpu.memory_space<semaphore_mem>>
        %dma_start3A_230 = tpu.memref_squeeze %dma_start3A_229 : memref<1x!tpu.dma_semaphore, #tpu.memory_space<semaphore_mem>> -> memref<!tpu.dma_semaphore, #tpu.memory_space<semaphore_mem>>
        %dma_start3A_231 = arith.constant 0 : i32
        %dma_start3A_232 = arith.constant 0 : i32
        %dma_start3A_233 = tpu.memref_slice %arg7[%rem3A_218, %dma_start3A_231, %dma_start3A_232] : memref<4x184x128xf32, #tpu.memory_space<vmem>> -> memref<1x184x128xf32, #tpu.memory_space<vmem>>
        %dma_start3A_234 = tpu.memref_squeeze %dma_start3A_233 : memref<1x184x128xf32, #tpu.memory_space<vmem>> -> memref<184x128xf32, #tpu.memory_space<vmem>>
        %dma_start3A_235 = arith.constant 0 : i32
        %dma_start3A_236 = tpu.memref_slice %arg2[%multiple_of3A_222, %dma_start3A_235] : memref<100000x128xf32, #tpu.memory_space<hbm>> -> memref<184x128xf32, #tpu.memory_space<hbm>>
        tpu.enqueue_dma source(%dma_start3A_236 : memref<184x128xf32, #tpu.memory_space<hbm>>) target(%dma_start3A_234 : memref<184x128xf32, #tpu.memory_space<vmem>>) target_semaphore(%dma_start3A_230 : memref<!tpu.dma_semaphore, #tpu.memory_space<semaphore_mem>>)
      } else {
      }
      %dma_wait3A_173 = arith.constant 0 : i32
      %dma_wait3A_174 = arith.constant 0 : i32
      %dma_wait3A_175 = tpu.memref_slice %arg7[%rem3A_115, %dma_wait3A_173, %dma_wait3A_174] : memref<4x184x128xf32, #tpu.memory_space<vmem>> -> memref<1x184x128xf32, #tpu.memory_space<vmem>>
      %dma_wait3A_176 = tpu.memref_squeeze %dma_wait3A_175 : memref<1x184x128xf32, #tpu.memory_space<vmem>> -> memref<184x128xf32, #tpu.memory_space<vmem>>
      %dma_wait3A_177 = arith.constant 0 : i32
      %dma_wait3A_178 = arith.constant 0 : i32
      %dma_wait3A_179 = tpu.memref_slice %dma_wait3A_176[%dma_wait3A_177, %dma_wait3A_178] : memref<184x128xf32, #tpu.memory_space<vmem>> -> memref<128x128xf32, #tpu.memory_space<vmem>>
      %dma_wait3A_180 = tpu.memref_slice %arg6[%add3A_137] : memref<3136xi32, #tpu.memory_space<vmem>> -> memref<128xi32, #tpu.memory_space<vmem>>
      %dma_wait3A_181 = arith.constant 0 : i32
      %dma_wait3A_182 = arith.constant 0 : i32
      %dma_wait3A_183 = tpu.memref_slice %arg14[%dma_wait3A_181, %dma_wait3A_182] : memref<1024x128xf32, #tpu.memory_space<vmem_shared>> -> memref<1024x128xf32, #tpu.memory_space<vmem_shared>>
      tpu.wait_indirect_dma semaphore(%arg11 : memref<!tpu.dma_semaphore, #tpu.memory_space<semaphore_mem>>) src(%dma_wait3A_183 : memref<1024x128xf32, #tpu.memory_space<vmem_shared>>) dst(%dma_wait3A_179 : memref<128x128xf32, #tpu.memory_space<vmem>>)
      %dma_wait3A_184 = arith.constant 0 : i32
      %dma_wait3A_185 = arith.constant 0 : i32
      %dma_wait3A_186 = tpu.memref_slice %arg7[%rem3A_115, %dma_wait3A_184, %dma_wait3A_185] : memref<4x184x128xf32, #tpu.memory_space<vmem>> -> memref<1x184x128xf32, #tpu.memory_space<vmem>>
      %dma_wait3A_187 = tpu.memref_squeeze %dma_wait3A_186 : memref<1x184x128xf32, #tpu.memory_space<vmem>> -> memref<184x128xf32, #tpu.memory_space<vmem>>
      %dma_wait3A_188 = arith.constant 128 : i32
      %dma_wait3A_189 = arith.constant 0 : i32
      %dma_wait3A_190 = tpu.memref_slice %dma_wait3A_187[%dma_wait3A_188, %dma_wait3A_189] : memref<184x128xf32, #tpu.memory_space<vmem>> -> memref<56x128xf32, #tpu.memory_space<vmem>>
      %dma_wait3A_191 = tpu.memref_slice %arg6[%add3A_152] : memref<3136xi32, #tpu.memory_space<vmem>> -> memref<56xi32, #tpu.memory_space<vmem>>
      %dma_wait3A_192 = arith.constant 0 : i32
      %dma_wait3A_193 = arith.constant 0 : i32
      %dma_wait3A_194 = tpu.memref_slice %arg14[%dma_wait3A_192, %dma_wait3A_193] : memref<1024x128xf32, #tpu.memory_space<vmem_shared>> -> memref<1024x128xf32, #tpu.memory_space<vmem_shared>>
      tpu.wait_indirect_dma semaphore(%arg11 : memref<!tpu.dma_semaphore, #tpu.memory_space<semaphore_mem>>) src(%dma_wait3A_194 : memref<1024x128xf32, #tpu.memory_space<vmem_shared>>) dst(%dma_wait3A_190 : memref<56x128xf32, #tpu.memory_space<vmem>>)
      %mul3A_195 = arith.constant 184 : i32
      %mul3A_196 = arith.muli %while3A_113, %mul3A_195 : i32
      %add3A_197 = arith.addi %multiple_of3A, %mul3A_196 : i32
      %multiple_of3A_198 = tpu.assume_multiple %add3A_197, 8 : i32
      %dma_start3A_199 = arith.constant 0 : i32
      %dma_start3A_200 = arith.constant 0 : i32
      %dma_start3A_201 = tpu.memref_slice %arg7[%rem3A_115, %dma_start3A_199, %dma_start3A_200] : memref<4x184x128xf32, #tpu.memory_space<vmem>> -> memref<1x184x128xf32, #tpu.memory_space<vmem>>
      %dma_start3A_202 = tpu.memref_squeeze %dma_start3A_201 : memref<1x184x128xf32, #tpu.memory_space<vmem>> -> memref<184x128xf32, #tpu.memory_space<vmem>>
      %dma_start3A_203 = arith.constant 0 : i32
      %dma_start3A_204 = tpu.memref_slice %arg5[%multiple_of3A_198, %dma_start3A_203] : memref<100000x128xf32, #tpu.memory_space<hbm>> -> memref<184x128xf32, #tpu.memory_space<hbm>>
      %dma_start3A_205 = tpu.memref_slice %arg10[%rem3A_115] : memref<4x!tpu.dma_semaphore, #tpu.memory_space<semaphore_mem>> -> memref<1x!tpu.dma_semaphore, #tpu.memory_space<semaphore_mem>>
      %dma_start3A_206 = tpu.memref_squeeze %dma_start3A_205 : memref<1x!tpu.dma_semaphore, #tpu.memory_space<semaphore_mem>> -> memref<!tpu.dma_semaphore, #tpu.memory_space<semaphore_mem>>
      %dma_start3A_207 = arith.constant 0 : i32
      %dma_start3A_208 = tpu.memref_slice %arg5[%multiple_of3A_198, %dma_start3A_207] : memref<100000x128xf32, #tpu.memory_space<hbm>> -> memref<184x128xf32, #tpu.memory_space<hbm>>
      %dma_start3A_209 = arith.constant 0 : i32
      %dma_start3A_210 = arith.constant 0 : i32
      %dma_start3A_211 = tpu.memref_slice %arg7[%rem3A_115, %dma_start3A_209, %dma_start3A_210] : memref<4x184x128xf32, #tpu.memory_space<vmem>> -> memref<1x184x128xf32, #tpu.memory_space<vmem>>
      %dma_start3A_212 = tpu.memref_squeeze %dma_start3A_211 : memref<1x184x128xf32, #tpu.memory_space<vmem>> -> memref<184x128xf32, #tpu.memory_space<vmem>>
      tpu.enqueue_dma source(%dma_start3A_212 : memref<184x128xf32, #tpu.memory_space<vmem>>) target(%dma_start3A_208 : memref<184x128xf32, #tpu.memory_space<hbm>>) target_semaphore(%dma_start3A_206 : memref<!tpu.dma_semaphore, #tpu.memory_space<semaphore_mem>>)
    }
    %convert_element_type3A_86 = arith.extui %eq3A_1 : i1 to i32
    %cond3A_87 = arith.constant 0 : i32
    %cond3A_88 = arith.cmpi ne, %convert_element_type3A_86, %cond3A_87 : i32
    scf.if %cond3A_88 {
      %dma_wait3A_113 = arith.constant 0 : i32
      %dma_wait3A_114 = arith.constant 0 : i32
      %dma_wait3A_115 = tpu.memref_slice %arg8[%dma_wait3A_113, %dma_wait3A_114] : memref<88x128xf32, #tpu.memory_space<vmem>> -> memref<88x128xf32, #tpu.memory_space<vmem>>
      %dma_wait3A_116 = arith.constant 2944 : i32
      %dma_wait3A_117 = tpu.memref_slice %arg6[%dma_wait3A_116] : memref<3136xi32, #tpu.memory_space<vmem>> -> memref<88xi32, #tpu.memory_space<vmem>>
      %dma_wait3A_118 = arith.constant 0 : i32
      %dma_wait3A_119 = arith.constant 0 : i32
      %dma_wait3A_120 = tpu.memref_slice %arg14[%dma_wait3A_118, %dma_wait3A_119] : memref<1024x128xf32, #tpu.memory_space<vmem_shared>> -> memref<1024x128xf32, #tpu.memory_space<vmem_shared>>
      tpu.wait_indirect_dma semaphore(%arg13 : memref<!tpu.dma_semaphore, #tpu.memory_space<semaphore_mem>>) src(%dma_wait3A_120 : memref<1024x128xf32, #tpu.memory_space<vmem_shared>>) dst(%dma_wait3A_115 : memref<88x128xf32, #tpu.memory_space<vmem>>)
      %add3A_121 = arith.constant 2944 : i32
      %add3A_122 = arith.addi %multiple_of3A, %add3A_121 : i32
      %dma_start3A_123 = arith.constant 0 : i32
      %dma_start3A_124 = arith.constant 0 : i32
      %dma_start3A_125 = tpu.memref_slice %arg8[%dma_start3A_123, %dma_start3A_124] : memref<88x128xf32, #tpu.memory_space<vmem>> -> memref<88x128xf32, #tpu.memory_space<vmem>>
      %dma_start3A_126 = arith.constant 0 : i32
      %dma_start3A_127 = tpu.memref_slice %arg5[%add3A_122, %dma_start3A_126] : memref<100000x128xf32, #tpu.memory_space<hbm>> -> memref<88x128xf32, #tpu.memory_space<hbm>>
      %dma_start3A_128 = arith.constant 0 : i32
      %dma_start3A_129 = tpu.memref_slice %arg5[%add3A_122, %dma_start3A_128] : memref<100000x128xf32, #tpu.memory_space<hbm>> -> memref<88x128xf32, #tpu.memory_space<hbm>>
      %dma_start3A_130 = arith.constant 0 : i32
      %dma_start3A_131 = arith.constant 0 : i32
      %dma_start3A_132 = tpu.memref_slice %arg8[%dma_start3A_130, %dma_start3A_131] : memref<88x128xf32, #tpu.memory_space<vmem>> -> memref<88x128xf32, #tpu.memory_space<vmem>>
      tpu.enqueue_dma source(%dma_start3A_132 : memref<88x128xf32, #tpu.memory_space<vmem>>) target(%dma_start3A_129 : memref<88x128xf32, #tpu.memory_space<hbm>>) target_semaphore(%arg12 : memref<!tpu.dma_semaphore, #tpu.memory_space<semaphore_mem>>)
    } else {
    }
    %sub3A = arith.constant 1 : i32
    %sub3A_89 = arith.subi %select_n3A, %sub3A : i32
    %sub3A_90 = arith.constant 1 : i32
    %sub3A_91 = arith.subi %select_n3A, %sub3A_90 : i32
    %rem3A = arith.constant 4 : i32
    %rem3A_92 = arith.remsi %sub3A_91, %rem3A : i32
    %mul3A_93 = arith.constant 184 : i32
    %mul3A_94 = arith.muli %sub3A_89, %mul3A_93 : i32
    %add3A_95 = arith.addi %multiple_of3A, %mul3A_94 : i32
    %multiple_of3A_96 = tpu.assume_multiple %add3A_95, 8 : i32
    %dma_wait3A = arith.constant 0 : i32
    %dma_wait3A_97 = arith.constant 0 : i32
    %dma_wait3A_98 = tpu.memref_slice %arg7[%rem3A_92, %dma_wait3A, %dma_wait3A_97] : memref<4x184x128xf32, #tpu.memory_space<vmem>> -> memref<1x184x128xf32, #tpu.memory_space<vmem>>
    %dma_wait3A_99 = tpu.memref_squeeze %dma_wait3A_98 : memref<1x184x128xf32, #tpu.memory_space<vmem>> -> memref<184x128xf32, #tpu.memory_space<vmem>>
    %dma_wait3A_100 = arith.constant 0 : i32
    %dma_wait3A_101 = tpu.memref_slice %arg5[%multiple_of3A_96, %dma_wait3A_100] : memref<100000x128xf32, #tpu.memory_space<hbm>> -> memref<184x128xf32, #tpu.memory_space<hbm>>
    %dma_wait3A_102 = tpu.memref_slice %arg10[%rem3A_92] : memref<4x!tpu.dma_semaphore, #tpu.memory_space<semaphore_mem>> -> memref<1x!tpu.dma_semaphore, #tpu.memory_space<semaphore_mem>>
    %dma_wait3A_103 = tpu.memref_squeeze %dma_wait3A_102 : memref<1x!tpu.dma_semaphore, #tpu.memory_space<semaphore_mem>> -> memref<!tpu.dma_semaphore, #tpu.memory_space<semaphore_mem>>
    %dma_wait3A_104 = arith.constant 0 : i32
    %dma_wait3A_105 = tpu.memref_slice %arg5[%multiple_of3A_96, %dma_wait3A_104] : memref<100000x128xf32, #tpu.memory_space<hbm>> -> memref<184x128xf32, #tpu.memory_space<hbm>>
    %dma_wait3A_106 = arith.constant 0 : i32
    %dma_wait3A_107 = arith.constant 0 : i32
    %dma_wait3A_108 = tpu.memref_slice %arg7[%rem3A_92, %dma_wait3A_106, %dma_wait3A_107] : memref<4x184x128xf32, #tpu.memory_space<vmem>> -> memref<1x184x128xf32, #tpu.memory_space<vmem>>
    %dma_wait3A_109 = tpu.memref_squeeze %dma_wait3A_108 : memref<1x184x128xf32, #tpu.memory_space<vmem>> -> memref<184x128xf32, #tpu.memory_space<vmem>>
    tpu.wait_dma2 semaphore(%dma_wait3A_103 : memref<!tpu.dma_semaphore, #tpu.memory_space<semaphore_mem>>) src(%dma_wait3A_109 : memref<184x128xf32, #tpu.memory_space<vmem>>) dst(%dma_wait3A_105 : memref<184x128xf32, #tpu.memory_space<hbm>>)
    %convert_element_type3A_110 = arith.extui %eq3A_1 : i1 to i32
    %cond3A_111 = arith.constant 0 : i32
    %cond3A_112 = arith.cmpi ne, %convert_element_type3A_110, %cond3A_111 : i32
    scf.if %cond3A_112 {
      %add3A_113 = arith.constant 2944 : i32
      %add3A_114 = arith.addi %multiple_of3A, %add3A_113 : i32
      %dma_wait3A_115 = arith.constant 0 : i32
      %dma_wait3A_116 = arith.constant 0 : i32
      %dma_wait3A_117 = tpu.memref_slice %arg8[%dma_wait3A_115, %dma_wait3A_116] : memref<88x128xf32, #tpu.memory_space<vmem>> -> memref<88x128xf32, #tpu.memory_space<vmem>>
      %dma_wait3A_118 = arith.constant 0 : i32
      %dma_wait3A_119 = tpu.memref_slice %arg5[%add3A_114, %dma_wait3A_118] : memref<100000x128xf32, #tpu.memory_space<hbm>> -> memref<88x128xf32, #tpu.memory_space<hbm>>
      %dma_wait3A_120 = arith.constant 0 : i32
      %dma_wait3A_121 = tpu.memref_slice %arg5[%add3A_114, %dma_wait3A_120] : memref<100000x128xf32, #tpu.memory_space<hbm>> -> memref<88x128xf32, #tpu.memory_space<hbm>>
      %dma_wait3A_122 = arith.constant 0 : i32
      %dma_wait3A_123 = arith.constant 0 : i32
      %dma_wait3A_124 = tpu.memref_slice %arg8[%dma_wait3A_122, %dma_wait3A_123] : memref<88x128xf32, #tpu.memory_space<vmem>> -> memref<88x128xf32, #tpu.memory_space<vmem>>
      tpu.wait_dma2 semaphore(%arg12 : memref<!tpu.dma_semaphore, #tpu.memory_space<semaphore_mem>>) src(%dma_wait3A_124 : memref<88x128xf32, #tpu.memory_space<vmem>>) dst(%dma_wait3A_121 : memref<88x128xf32, #tpu.memory_space<hbm>>)
    } else {
    }
    return
  }
}

</mosaic_0001>

<sc_bundles>
// kernel: _run.3.cloned.1.call-start
scs
__scs_entry_jumppad:
0x0: {  	(pc) =	sbr.rel $0x88, $3  }
0x1: {  	(tag) =	ssettag $0x0;
	lr =	simm.s32 $0x1  }
0x2: {  	[smem:$0x3F9E] =	sst lr;
	_ =	strace $0xD0000000  }
0x3: {  	_ = 	snop  }
0x4: {  	_ = 	snop  }
0x5: {  	_ = 	snop  }
0x6: {  	_ = 	snop  }
0x7: {  	_ = 	snop  }
__scs_overlays_trampoline_lowered:
0x8: {  	[smem:$0x3FAD] =	sst s0  }
0x9: {  	[smem:$0x3FAE] =	sst s1  }
0xa: {  	[smem:$0x3FAF] =	sst s2  }
0xb: {  	[smem:$0x3FB0] =	sst s3  }
0xc: {  	[smem:$0x3FB1] =	sst s4  }
0xd: {  	[smem:$0x3FB2] =	sst s5  }
0xe: {  	[smem:$0x3FB3] =	sst s6  }
0xf: {  	[smem:$0x3FB4] =	sst s7  }
0x10: {  	[smem:$0x3FB5] =	sst s8  }
0x11: {  	[smem:$0x3FB6] =	sst s9;
	s0 =	simm.s32 @!p0 $0x0  }
0x12: {  	s1 =	sld [smem:$0x3F9C];
	s0 =	simm.s32 @p0 $0x1  }
0x13: {  	[smem:$0x3FB7] =	sst s0;
	s0 =	simm.s32 @!p1 $0x0  }
0x14: {  	s2 =	sld [smem:$0x3F9B];
	s0 =	simm.s32 @p1 $0x1  }
0x15: {  	[smem:$0x3FB8] =	sst s0;
	s0 =	simm.s32 @!p2 $0x0  }
0x16: {  	s3 =	sld [smem:$0x3FDB];
	s0 =	simm.s32 @p2 $0x1  }
0x17: {  	s4 =	simm.s32 $0x1BF5;
	[smem:$0x3FBA] =	sst s0  }
0x18: {  	s0 =	sld [smem:$0x3F9D];
	_ =	swait.ge [sflag:s4], $0x0  }
0x19: {  	s7 =	sld [smem:$0x3F9E]  }
0x1a: {  	s8 =	sadd.s32 $0xFFFFE003, lr  }
0x1b: {  	s9 =	sadd.s32 $0xFFFFFEF7, lr;
	s5 =	simm.s32 $0xFFFFFFFF;
	p2 =	slt.u32 s8, $0xFFFFF086  }
0x1c: {  	p1 =	slt.u32 s9, $0xF7A;
	s5 =	simm.s32 @!p2 $0x0  }
0x1d: {  	s5 =	simm.s32 @p1 $0x1;
	p0 =	seq.s32 s7, s2  }
0x1e: {  	s7 =	smul.u32 @!p0 $0xF7A, s2;
	p2 =	seq.s32 @!p0 s5, $0x0  }
0x1f: {  	s9 =	smul.u32 $0xF7A, s1;
	s8 =	simm.s32 @!p0 $0x1BF5;
	p2 =	por !p2, p0  }
0x20: {  	[sflag:s8] =	ssyncset.s32 @!p0 $0xFFFFF086;
	s6 =	sadd.s32 @!p0 s3, s7;
	s7 =	simm.s32 @!p0 $0x108  }
0x21: {  	s3 =	sadd.s32 s3, s9;
	s6 =	sadd.s32 @!p0 $0x88, s6;
	s7 =	simm.s32 @p2 $0x1082  }
0x22: {  	[simem:s7], [sflag:s8] =	dma.local @!p0 [hbm:s6], $0xF7A  }
0x23: {  	s9 =	sor.u32 $0xD0000000, s2;
	s6 =	simm.s32 $0x108;
	_ =	swait.ge @!p0 [sflag:s8], $0x0  }
0x24: {  	s3 =	sadd.s32 $0x88, s3;
	s6 =	simm.s32 @!p1 $0x1082;
	[sflag:s4] =	ssyncset.s32 $0xFFFFF086  }
0x25: {  	[simem:s6], [sflag:s4] =	dma.local [hbm:s3], $0xF7A  }
0x26: {  	[smem:$0x3F9E] =	sst s1;
	(tag) =	ssettag s2;
	_ =	strace s9  }
0x27: {  	s1 =	sld [smem:$0x3FAE]  }
0x28: {  	s2 =	sld [smem:$0x3FAF]  }
0x29: {  	s4 =	sld [smem:$0x3FB1]  }
0x2a: {  	p0 =	seq.s32 s5, $0x0;
	s5 =	sld [smem:$0x3FB2]  }
0x2b: {  	s6 =	sld [smem:$0x3FB3]  }
0x2c: {  	s7 =	sld [smem:$0x3FB4]  }
0x2d: {  	s3 =	simm.s32 $0x108;
	s8 =	sld [smem:$0x3FB5]  }
0x2e: {  	s3 =	simm.s32 @!p0 $0x1082;
	s9 =	sld [smem:$0x3FB6]  }
0x2f: {  	lr =	sadd.s32 s0, s3;
	s0 =	sld [smem:$0x3FAD]  }
0x30: {  	s3 =	sld [smem:$0x3FB0]  }
0x31: {  	[smem:$0x3FB9] =	sst s10  }
0x32: {  	s10 =	sld [smem:$0x3FB7];
	_ =	sdelay $0x3  }
0x33: {  	p0 =	seq.s32 s10, $0x1;
	s10 =	sld [smem:$0x3FB9];
	_ =	sdelay $0x3  }
0x34: {  	[smem:$0x3FB9] =	sst s10  }
0x35: {  	s10 =	sld [smem:$0x3FB8];
	_ =	sdelay $0x3  }
0x36: {  	p1 =	seq.s32 s10, $0x1;
	s10 =	sld [smem:$0x3FB9];
	_ =	sdelay $0x3  }
0x37: {  	[smem:$0x3FB9] =	sst s10  }
0x38: {  	s10 =	sld [smem:$0x3FBA]  }
0x39: {  	_ = 	snop;
	(pc) =	sbr.ind lr, $3  }
0x3a: {  	_ = 	snop  }
0x3b: {  	_ = 	snop  }
0x3c: {  	p2 =	seq.s32 s10, $0x1;
	s10 =	sld [smem:$0x3FB9]  }
0x3d: {  	_ =	shalt  }
0x3e: {  	_ =	shalt  }
0x3f: {  	_ =	shalt  }
0x40: {  	_ =	shalt  }
0x41: {  	_ =	shalt  }
0x42: {  	_ =	shalt  }
0x43: {  	_ =	shalt  }
0x44: {  	_ =	shalt  }
0x45: {  	_ =	shalt  }
0x46: {  	_ =	shalt  }
0x47: {  	_ =	shalt  }
0x48: {  	_ =	shalt  }
0x49: {  	_ =	shalt  }
0x4a: {  	_ =	shalt  }
0x4b: {  	_ =	shalt  }
0x4c: {  	_ =	shalt  }
0x4d: {  	_ =	shalt  }
0x4e: {  	_ =	shalt  }
0x4f: {  	_ =	shalt  }
0x50: {  	_ =	shalt  }
0x51: {  	_ =	shalt  }
0x52: {  	_ =	shalt  }
0x53: {  	_ =	shalt  }
0x54: {  	_ =	shalt  }
0x55: {  	_ =	shalt  }
0x56: {  	_ =	shalt  }
0x57: {  	_ =	shalt  }
0x58: {  	_ =	shalt  }
0x59: {  	_ =	shalt  }
0x5a: {  	_ =	shalt  }
0x5b: {  	_ =	shalt  }
0x5c: {  	_ =	shalt  }
0x5d: {  	_ =	shalt  }
0x5e: {  	_ =	shalt  }
0x5f: {  	_ =	shalt  }
0x60: {  	_ =	shalt  }
0x61: {  	_ =	shalt  }
0x62: {  	_ =	shalt  }
0x63: {  	_ =	shalt  }
0x64: {  	_ =	shalt  }
0x65: {  	_ =	shalt  }
0x66: {  	_ =	shalt  }
0x67: {  	_ =	shalt  }
0x68: {  	_ =	shalt  }
0x69: {  	_ =	shalt  }
0x6a: {  	_ =	shalt  }
0x6b: {  	_ =	shalt  }
0x6c: {  	_ =	shalt  }
0x6d: {  	_ =	shalt  }
0x6e: {  	_ =	shalt  }
0x6f: {  	_ =	shalt  }
0x70: {  	_ =	shalt  }
0x71: {  	_ =	shalt  }
0x72: {  	_ =	shalt  }
0x73: {  	_ =	shalt  }
0x74: {  	_ =	shalt  }
0x75: {  	_ =	shalt  }
0x76: {  	_ =	shalt  }
0x77: {  	_ =	shalt  }
0x78: {  	_ =	shalt  }
0x79: {  	_ =	shalt  }
0x7a: {  	_ =	shalt  }
0x7b: {  	_ =	shalt  }
0x7c: {  	_ =	shalt  }
0x7d: {  	_ =	shalt  }
0x7e: {  	_ =	shalt  }
0x7f: {  	_ =	shalt  }
0x80: {  	_ =	shalt  }
0x81: {  	_ =	shalt  }
0x82: {  	_ =	shalt  }
0x83: {  	_ =	shalt  }
0x84: {  	_ =	shalt  }
0x85: {  	_ =	shalt  }
0x86: {  	_ =	shalt  }
0x87: {  	_ =	shalt  }
.Lfunc_end0:
.L_simem_size_0:
called_computation_lowered:
.L_overlay_start_0:
0x88: {  	s2 =	sld [smem:$0x3FD9]  }
0x89: {  	s3 =	sld [smem:$0x3FFE];
	_ =	sdelay $0x1  }
0x8a: {  	s1 =	srdreg.scid  }
0x8b: {  	s0 =	sand.u32 $0x1, s1  }
0x8c: {  	s18 =	sshll.u32 s0, $0xA;
	s2 =	sadd.s32 s3, s2  }
0x8d: {  	s2 =	sadd.s32 s2, s18  }
0x8e: {  	[smem:$0x3FC5] =	sst s2  }
0x8f: {  	_ = 	snop  }
0x90: {  	s2 =	sld [smem:$0x3FC9]  }
0x91: {  	s19 =	sld [smem:$0x3FC8]  }
0x92: {  	s4 =	sld [smem:$0x3FC7]  }
0x93: {  	s5 =	sld [smem:$0x3FD0];
	(tm) =	ssettm $0x1  }
0x94: {  	s6 =	sld [smem:$0x3FFB];
	_ =	sdelay $0x3  }
0x95: {  	_ =	strace s6  }
0x96: {  	s6 =	sld [smem:$0x3FFC];
	_ =	sdelay $0x3  }
0x97: {  	_ =	strace s6  }
0x98: {  	s6 =	sld [smem:$0x3FFD];
	_ =	sdelay $0x3  }
0x99: {  	_ =	strace s6  }
0x9a: {  	_ =	strace $0x8FFFFFFF  }
0x9b: {  	s20 =	sld [smem:$0x3FDB];
	_ =	sdelay $0x1  }
0x9c: {  	s7 =	simm.s32 $_scs_section_size  }
0x9d: {  	s8 =	simm.s32 $_size__tile_overlayer_lowered;
	s9 =	simm.s32 $_tile_overlayer_lowered  }
0x9e: {  	s23 =	simm.s32 $0x1BFF;
	s22 =	sshll.u32 s9, $0x1;
	s6 =	sadd.s32 s7, s20  }
0x9f: {  	s10 =	simm.s32 $0x0;
	s21 =	sshll.u32 s8, $0x1;
	s8 =	sadd.s32 s22, s6  }
0xa0: {  	[timem:s10], [sflag:s23] =	dma.local [hbm:s8], s21  }
0xa1: {  	_ =	swait.ge [sflag:s23], s21  }
0xa2: {  	s7 =	ssub.s32 $0x0, s21;
	[sflag:s23] =	ssyncset.done $0x0  }
0xa3: {  	[sflag:s23] =	ssyncadd.s32 s7;
	_ =	sdelay $0x1  }
0xa4: {  	s24 =	simm.s32 $0x1B8B  }
0xa5: {  	_ =	swait.ge [sflag:s24], $0x1  }
0xa6: {  	[sflag:s24] =	ssyncset.done $0x0  }
0xa7: {  	s25 =	simm.s32 $0x1B8E;
	[sflag:s24] =	ssyncadd.s32 $0xFFFFFFFF  }
0xa8: {  	s26 =	simm.s32 $execute0_lowered;
	[smem:$0x3FD2] =	sst s25  }
0xa9: {  	s7 =	sshll.u32 s26, $0x1;
	_ =	strace $0x80000046;
	[dreg:$0x1] =	wrdreg $0xFFFFFFFF  }
0xaa: {  	s28 =	simm.s32 $_size_execute0_lowered;
	s6 =	sadd.s32 s6, s7;
	[dreg:$0x0] =	wrdreg $0x0  }
0xab: {  	s7 =	sshll.u32 s28, $0x1;
	[dreg:$0x2] =	wrdreg s6  }
0xac: {  	[dreg:$0x3] =	wrdreg s7  }
0xad: {  	[dreg:$0x4] =	wrdreg $0xC0  }
0xae: {  	_ =	task [dreg:s10], $0x5FFFF  }
0xaf: {  	[dreg:$0x1] =	wrdreg $0xFFFFFFFF  }
0xb0: {  	[dreg:$0x0] =	wrdreg $0x60  }
0xb1: {  	[dreg:$0x2] =	wrdreg s2  }
0xb2: {  	[dreg:$0x3] =	wrdreg s19  }
0xb3: {  	[dreg:$0x4] =	wrdreg s4  }
0xb4: {  	[dreg:$0x5] =	wrdreg s5  }
0xb5: {  	[dreg:$0x6] =	wrdreg $0x1A8800  }
0xb6: {  	[dreg:$0x7] =	wrdreg $0x9  }
0xb7: {  	_ =	task.clear_ibuf [dreg:s10], $0x8FFFF;
	_ =	strace $0x90000046  }
0xb8: {  	s29 =	simm.s32 $0x9;
	_ =	strace $0x80000048  }
0xb9: {  	_ =	swait.ge [sflag:s29], $0x1  }
0xba: {  	[sflag:s29] =	ssyncadd.s32 $0xFFFFFFFF  }
0xbb: {  	_ =	strace $0x90000048  }
0xbc: {  	_ =	sfence  }
0xbd: {  	s30 =	sld [smem:$0x0];
	_ =	sdelay $0x2  }
0xbe: {  	s31 =	sshll.u32 s1, $0xD;
	s1 =	sshrl.u32 s1, $0x2  }
0xbf: {  	s3 =	sand.u32 $0x4000, s31;
	s1 =	sadd.s32 s1, s30  }
0xc0: {  	s0 =	sor.u32 s3, s0;
	s1 =	sshll.u32 s1, $0x11  }
0xc1: {  	s0 =	sor.u32 s1, s0  }
0xc2: {  	s0 =	sadd.s32 $0x8F2B, s0  }
0xc3: {  	[sflag:s0] =	ssyncadd.remote.s32 $0x1  }
0xc4: {  	_ =	sfence.sel $0xFFFF  }
0xc5: {  	[dreg:$0x0] =	wrdreg $0xFFFFFFFF;
	(pc) =	sbr.abs _section_cstart, $3  }
0xc6: {  	[dreg:$0x1] =	wrdreg $0xFFFFFFFF  }
0xc7: {  	_ =	task.clear_ibuf [dreg:s10], $0x2FFFF;
	_ =	strace $0x9FFFFFFF  }
0xc8: {  	(tm) =	ssettm $0x7FFFFFFF  }
0xc9: {  	_ =	shalt  }
tec
execute0_lowered:
.L_overlay_start_1:
0x0: {  	(tag) =	ssettag $0x1  }
0x1: {  	s1 =	rddreg [dreg:$0x0]  }
0x2: {  	s10 =	rddreg [dreg:$0x1]  }
0x3: {  	s14 =	rddreg [dreg:$0x3];
	s3 =	srdreg.scid  }
0x4: {  	s16 =	stileid.u32;
	s2 =	rddreg [dreg:$0x4]  }
0x5: {  	s22 =	simm.s32 $0x80;
	s23 =	simm.s32 $0x38;
	s26 =	simm.s32 $0x9  }
0x6: {  	s28 =	simm.s32 $0x0;
	s13 =	sand.u32 $0x1, s3;
	s4 =	sshll.u32 s16, $0x1  }
0x7: {  	s3 =	simm.s32 $0x0;
	s9 =	sadd.s32 $0x186480, s1;
	s17 =	smul.u32 $0x18700, s16  }
0x8: {  	s11 =	sadd.s32 $0x186480, s14;
	p1 =	sne.s32 s16, $0x0;
	s21 =	sor.u32 s13, s4  }
0x9: {  	[smem:$0x7FF] =	sst s3;
	s5 =	ssub.s32 $0x2, s13;
	s18 =	smul.u32 $0xC380, s13  }
0xa: {  	s4 =	simm.s32 $0x10;
	s6 =	smul.u32 $0xC38, s21;
	_ =	strace $0x80000047  }
0xb: {  	s7 =	sshrl.u32 s5, $0x1;
	s8 =	smul.u32 $0x61C00, s21;
	p0 =	seq.s32 s21, $0x1F  }
0xc: {  	s15 =	smul.u32 $0xC380, s21;
	s19 =	sadd.s32 s17, s14;
	p2 =	sne.s32 s21, $0x1F  }
0xd: {  	s21 =	simm.s32 $0x1;
	s12 =	ssub.s32 s5, s7;
	s4 =	simm.s32 @!p0 $0x11  }
0xe: {  	s31 =	sadd.s32 s18, s19;
	s29 =	sshrl.u32 s8, $0x3;
	s5 =	sadd.s32 s1, s15  }
0xf: {  	s30 =	sshrl.u32 s6, $0x3;
	s12 =	smax.u32 s12, $0x1;
	s14 =	sadd.s32 s14, s15  }
0x10: {  	s15 =	ssub.s32 $0x0, s4;
	s7 =	sadd.s32 s1, s29;
	s8 =	sadd.s32 s10, s30  }
0x11: {  	s10 =	sadd.s32 $0x2F59, s10;
	s13 =	sadd.s32 $0x2280, s5;
	s1 =	sadd.s32 s17, s1  }
0x12: {  	s6 =	sadd.s32 $0xB80, s7;
	s7 =	sadd.s32 $0x1700, s7;
	s18 =	sadd.s32 s18, s1  }
0x13: {  	s1 =	sadd.s32 $0xB80, s31;
	s17 =	sadd.s32 $0x2E00, s18;
	s18 =	simm.s32 $0xC80  }
.LBB2_1:
0x14: {  	[tilespmem:s18], [sflag:$0x1] =	stream.linear.gather [hbm4b:s5+s3], $0x5C00, $0x38;
	[tilespmem:$0x1C880] =	vst v63  }
0x15: {  	s0 =	simm.s32 $0x6880  }
0x16: {  	[tilespmem:s0], [sflag:$0x2] =	stream.linear.gather [hbm4b:s6+s3], $0x5C00, $0x38;
	[tilespmem:$0x1C880] =	vst v63  }
0x17: {  	s20 =	simm.s32 $0xC480  }
0x18: {  	[tilespmem:s20], [sflag:$0x3] =	stream.linear.gather [hbm4b:s7+s3], $0x5C00, $0x38;
	[tilespmem:$0x1C880] =	vst v63  }
0x19: {  	s16 =	simm.s32 @p0 $0x0;
	s29 =	simm.s32 @p0 $0x17C80  }
0x1a: {  	[tilespmem:s29], [sflag:$0xA] =	stream.linear.gather @p0 [hbm4b:s9+s16], $0x2C00, $0x38;
	[tilespmem:$0x1C880] =	vst v63  }
0x1b: {  	_ = 	snop  }
0x1c: {  	[tilespmem:s16], [sflag:$0xC] =	stream.linear.gather @p0 [hbm4b:s10+s16], $0xBD8, $0x38;
	[tilespmem:$0x1C880] =	vst v63  }
0x1d: {  	s16 =	simm.s32 @p0 $0xC  }
0x1e: {  	_ =	swait.ge @p0 [sflag:s16], $0xBD8  }
0x1f: {  	[sflag:s16] =	ssyncset.done @p0 $0x0  }
0x20: {  	[sflag:s16] =	ssyncadd.s32 @p0 $0xFFFFF428;
	s16 =	simm.s32 @!p0 $0x0  }
0x21: {  	[tilespmem:s16], [sflag:$0xC] =	stream.linear.gather @!p0 [hbm4b:s8+s16], $0xC38, $0x38;
	[tilespmem:$0x1C880] =	vst v63  }
0x22: {  	s16 =	simm.s32 @!p0 $0xC  }
0x23: {  	_ =	swait.ge @!p0 [sflag:s16], $0xC38  }
0x24: {  	[sflag:s16] =	ssyncset.done @!p0 $0x0  }
0x25: {  	[sflag:s16] =	ssyncadd.s32 @!p0 $0xFFFFF3C8  }
0x26: {  	s29 =	simm.s32 @!p1 $0x1C0C;
	s16 =	sshrl.u32 @!p1 s2, $0x3;
	s0 =	rddreg [dreg:$0x2]  }
0x27: {  	[spmem:s16], [sflag:s29] =	dma.local @!p1 [hbm:s0], $0x4000  }
0x28: {  	s16 =	simm.s32 @!p1 $0xC  }
0x29: {  	_ =	swait.ge @!p1 [sflag:s16], $0x4000  }
0x2a: {  	[sflag:s16] =	ssyncset.done @!p1 $0x0  }
0x2b: {  	[sflag:s16] =	ssyncadd.s32 @!p1 $0xFFFFC000  }
0x2c: {  	s16 =	simm.s32 @!p2 $0xA;
	[bflag:$0x0] =	sbarrier.arrive $0xFFFF  }
0x2d: {  	_ =	swait.ge @!p2 [sflag:s16], $0x2C00  }
0x2e: {  	s30 =	simm.s32 @!p2 $0x17C80;
	[sflag:s16] =	ssyncset.done @!p2 $0x0  }
0x2f: {  	s29 =	simm.s32 @!p2 $0xB80;
	[sflag:s16] =	ssyncadd.s32 @!p2 $0xFFFFD400;
	s16 =	simm.s32 @!p2 $0x58  }
0x30: {  	[tilespmem:s30], [sflag:$0xB] =	stream.indirect.gather.add.f32 @!p2 [spmem:s2], $0x80, s29, s16, $0xb8;
	[tilespmem:$0x1C880] =	vst v63  }
0x31: {  	_ =	swait.ge [sflag:s21], $0x5C00  }
0x32: {  	[sflag:s21] =	ssyncset.done $0x0  }
0x33: {  	[sflag:s21] =	ssyncadd.s32 $0xFFFFA400  }
0x34: {  	[tilespmem:s18], [sflag:$0x9] =	stream.indirect.gather.add.f32 [spmem:s2], $0x80, s3, s22, $0xb8;
	[tilespmem:$0x1C880] =	vst v63  }
0x35: {  	s24 =	simm.s32 $0x4C80  }
0x36: {  	[tilespmem:s24], [sflag:$0x9] =	stream.indirect.gather.add.f32 [spmem:s2], $0x80, s22, s23, $0xb8;
	[tilespmem:$0x1C880] =	vst v63  }
0x37: {  	s25 =	simm.s32 $0x12080  }
0x38: {  	[tilespmem:s25], [sflag:$0x4] =	stream.linear.gather [hbm4b:s13+s3], $0x5C00, $0x38;
	[tilespmem:$0x1C880] =	vst v63  }
0x39: {  	_ =	swait.ge [sflag:s26], $0x4000  }
0x3a: {  	[sflag:s26] =	ssyncset.done $0x0  }
0x3b: {  	[sflag:s26] =	ssyncadd.s32 $0xFFFFC000  }
0x3c: {  	_ =	swait.ge [sflag:s26], $0x1C00  }
0x3d: {  	s31 =	smov.u32 s17;
	s29 =	simm.s32 $0x4;
	[sflag:s26] =	ssyncset.done $0x0  }
0x3e: {  	s30 =	simm.s32 $0x138;
	s16 =	smov.u32 s1;
	[sflag:s26] =	ssyncadd.s32 $0xFFFFE400  }
0x3f: {  	[hbm4b:s14+s3] =	stream.linear.scatter [tilespmem:s18], [sflag:$0x5], $0x5C00, $0x38;
	[tilespmem:$0x1C880] =	vst v63  }
.LBB2_2:
0x40: {  	s0 =	sadd.s32 $0xFFFFFFFD, s29  }
0x41: {  	s0 =	sand.u32 $0x3, s0  }
0x42: {  	s19 =	sadd.s32 $0x1, s0;
	s20 =	smul.u32 $0x17000, s0  }
0x43: {  	_ =	swait.ge [sflag:s19], $0x5C00  }
0x44: {  	s20 =	sshrl.u32 s20, $0x2;
	[sflag:s19] =	ssyncset.done $0x0  }
0x45: {  	s25 =	sadd.s32 $0xFFFFFF80, s30;
	s24 =	sadd.s32 $0xC80, s20;
	[sflag:s19] =	ssyncadd.s32 $0xFFFFA400  }
0x46: {  	[tilespmem:s24], [sflag:$0x9] =	stream.indirect.gather.add.f32 [spmem:s2], $0x80, s25, s22, $0xb8;
	[tilespmem:$0x1C880] =	vst v63  }
0x47: {  	s20 =	sadd.s32 $0x4C80, s20;
	s19 =	sand.u32 $0x3, s29  }
0x48: {  	[tilespmem:s20], [sflag:$0x9] =	stream.indirect.gather.add.f32 [spmem:s2], $0x80, s30, s23, $0xb8;
	[tilespmem:$0x1C880] =	vst v63  }
0x49: {  	p3 =	sge.u32 s29, s4;
	s20 =	sadd.s32 $0x5, s19  }
0x4a: {  	s25 =	smul.u32 @!p3 $0x17000, s19;
	_ =	swait.ge [sflag:s20], $0x5C00  }
0x4b: {  	[sflag:s20] =	ssyncset.done $0x0  }
0x4c: {  	[sflag:s20] =	ssyncadd.s32 $0xFFFFA400;
	s20 =	sshrl.u32 @!p3 s25, $0x2  }
0x4d: {  	s19 =	sadd.s32 @!p3 $0x1, s19;
	s25 =	simm.s32 @!p3 $0x0;
	s20 =	sadd.s32 @!p3 $0xC80, s20  }
0x4e: {  	[tilespmem:s20], [sflag:s19] =	stream.linear.gather @!p3 [hbm4b:s31+s25], $0x5C00, $0x38;
	[tilespmem:$0x1C880] =	vst v63  }
0x4f: {  	s29 =	sadd.s32 $0x1, s29;
	_ =	swait.ge [sflag:s26], $0x4000  }
0x50: {  	s25 =	sadd.s32 s29, s15;
	[sflag:s26] =	ssyncset.done $0x0  }
0x51: {  	p3 =	sne.s32 s25, $0x3;
	[sflag:s26] =	ssyncadd.s32 $0xFFFFC000  }
.Ltmp0:
0x52: {  	_ =	swait.ge [sflag:s26], $0x1C00;
	(pc) =	sbr.rel @p3 .LBB2_2-.Ltmp0, $4  }
0x53: {  	[sflag:s26] =	ssyncset.done $0x0  }
0x54: {  	s0 =	sadd.s32 $0x5, s0;
	[sflag:s26] =	ssyncadd.s32 $0xFFFFE400  }
0x55: {  	[hbm4b:s16+s3] =	stream.linear.scatter [tilespmem:s24], [sflag:s0], $0x5C00, $0x38;
	[tilespmem:$0x1C880] =	vst v63  }
0x56: {  	s30 =	sadd.s32 $0xB8, s30;
	s31 =	sadd.s32 $0xB80, s31;
	s16 =	sadd.s32 $0xB80, s16  }
0x57: {  	s0 =	simm.s32 @p2 $0x5  }
0x58: {  	_ =	swait.ge @p2 [sflag:s0], $0x5C00  }
0x59: {  	[sflag:s0] =	ssyncset.done @p2 $0x0  }
0x5a: {  	[sflag:s0] =	ssyncadd.s32 @p2 $0xFFFFA400;
	s0 =	simm.s32 @!p2 $0xB  }
0x5b: {  	_ =	swait.ge @!p2 [sflag:s0], $0x2C00  }
0x5c: {  	[sflag:s0] =	ssyncset.done @!p2 $0x0  }
0x5d: {  	s16 =	simm.s32 @!p2 $0x17C80;
	[sflag:s0] =	ssyncadd.s32 @!p2 $0xFFFFD400;
	s0 =	simm.s32 @!p2 $0x0  }
0x5e: {  	[hbm4b:s11+s0] =	stream.linear.scatter @!p2 [tilespmem:s16], [sflag:$0xA], $0x2C00, $0x38;
	[tilespmem:$0x1C880] =	vst v63  }
0x5f: {  	s28 =	sadd.s32 $0x1, s28;
	s0 =	simm.s32 @!p2 $0x8  }
0x60: {  	p3 =	sne.s32 s28, s12;
	_ =	swait.ge @!p2 [sflag:s0], $0x5C00  }
.Ltmp1:
0x61: {  	[sflag:s0] =	ssyncset.done @!p2 $0x0;
	(pc) =	sbr.rel @p3 .LBB2_1-.Ltmp1, $4  }
0x62: {  	[sflag:s0] =	ssyncadd.s32 @!p2 $0xFFFFA400;
	s0 =	simm.s32 @!p2 $0xA  }
0x63: {  	_ =	swait.ge @!p2 [sflag:s0], $0x2C00  }
0x64: {  	[sflag:s0] =	ssyncset.done @!p2 $0x0  }
0x65: {  	[sflag:s0] =	ssyncadd.s32 @!p2 $0xFFFFD400  }
0x66: {  	_ =	sfence.sel $0x180000  }
0x67: {  	[bflag:$0x0] =	sbarrier.arrive $0xFFFF  }
0x68: {  	_ =	strace $0x90000047  }
0x69: {  	[bflag:$0x2] =	sbarrier.arrive $0xFFFF  }
0x6a: {  	s0 =	rddreg [dreg:$0x5]  }
0x6b: {  	s0 =	sadd.s32 @!p1 $0x100000, s0  }
0x6c: {  	[sflag:s0] =	ssyncadd.tile.s32 @!p1 $0x1;
	_ =	shalt  }
.Lfunc_end2:
_tile_overlayer_lowered:
.L_overlay_start_2:
0x6d: {  	(tag) =	ssettag $0x2  }
0x6e: {  	s0 =	rddreg [dreg:$0x0];
	s2 =	stileid.u32  }
0x6f: {  	s1 =	rddreg [dreg:$0x1];
	p0 =	sne.s32 s2, $0x0  }
0x70: {  	s3 =	rddreg [dreg:$0x2];
	[bflag:$0x3] =	sbarrier.arrive $0xFFFF;
	s2 =	simm.s32 @!p0 $0x1C0C  }
0x71: {  	[timem:s3], [sflag:s2] =	dma.local @!p0 [hbm:s0], s1  }
0x72: {  	s0 =	simm.s32 @!p0 $0xC  }
0x73: {  	_ =	swait.ge @!p0 [sflag:s0], s1  }
0x74: {  	s1 =	ssub.s32 @!p0 $0x0, s1;
	[sflag:s0] =	ssyncset.done @!p0 $0x0  }
0x75: {  	[sflag:s0] =	ssyncadd.s32 @!p0 s1  }
0x76: {  	[bflag:$0x3] =	sbarrier.arrive $0xFFFF  }
0x77: {  	_ =	shalt  }

</sc_bundles>
